<compile_context>
chip_gen: v7x
topology: tpu7x:2x2x1
jax: 0.10.2.dev20260603
libtpu: 0.0.44.dev20260713+nightly
codegen_flags: <defaults>
</compile_context>

<pallas_src>
import dataclasses
import functools

import jax
import jax.numpy as jnp
from jax import lax
from jax.experimental import pallas as pl
from jax.experimental.pallas import tpu as pltpu
from jax.experimental.pallas import tpu_sc as plsc

D = 128
DH = D // 2
DQ = D // 4
NQ = 4
NC = 2
NS = 16
NW = NC * NS
LANES = 16
K = 256
CHUNKS = 80
NBUF = 2
EPAD = NS * CHUNKS * K
EDT = EPAD // NW
NPAD = 10240
RPT = NPAD // NS

MM_BLK = 1280


def _sc_compiler_params(**extra):
    cp = pltpu.CompilerParams()
    fields = pltpu.CompilerParams.__dataclass_fields__
    if "needs_layout_passes" in fields:
        cp = dataclasses.replace(cp, needs_layout_passes=False)
    for k, v in extra.items():
        if k in fields:
            cp = dataclasses.replace(cp, **{k: v})
    return cp


def _deg_hist(dst_flat):
    mesh = plsc.VectorSubcoreMesh(core_axis_name="c", subcore_axis_name="s")

    @functools.partial(
        pl.kernel,
        out_type=jax.ShapeDtypeStruct((NW, NPAD), jnp.float32),
        mesh=mesh,
        scratch_types=[
            pltpu.VMEM((EDT,), jnp.int32),
            pltpu.VMEM((NPAD,), jnp.float32),
        ],
        compiler_params=_sc_compiler_params(),
    )
    def k(dst_hbm, out_hbm, dst_v, hist_v):
        c = lax.axis_index("c")
        s = lax.axis_index("s")
        w = c * NS + s
        pltpu.sync_copy(dst_hbm.at[w], dst_v)

        @pl.loop(0, NPAD, step=LANES)
        def _zero(i):
            hist_v[pl.ds(i, LANES)] = jnp.zeros((LANES,), jnp.float32)

        ones = jnp.ones((LANES,), jnp.float32)

        @pl.loop(0, EDT, step=LANES)
        def _count(i):
            idx = dst_v[pl.ds(i, LANES)]
            plsc.addupdate_scatter(hist_v, [idx], ones)

        pltpu.sync_copy(hist_v, out_hbm.at[w])

    return k(dst_flat)


def _mm_body(x_ref, w_ref, h_ref):
    h_ref[...] = lax.dot_general(
        x_ref[...], w_ref[...], (((1,), (0,)), ((), ())),
        precision=lax.Precision.HIGHEST,
        preferred_element_type=jnp.float32,
    )


def _matmul(x_pad, w):
    return pl.pallas_call(
        _mm_body,
        grid=(NPAD // MM_BLK,),
        in_specs=[
            pl.BlockSpec((MM_BLK, D), lambda i: (i, 0)),
            pl.BlockSpec((D, D), lambda i: (0, 0)),
        ],
        out_specs=pl.BlockSpec((MM_BLK, D), lambda i: (i, 0)),
        out_shape=jax.ShapeDtypeStruct((NPAD, D), jnp.float32),
    )(x_pad, w)


def _scale_body(h_ref, hist_ref, hs4_ref):
    deg = 1.0 + jnp.sum(hist_ref[...], axis=0)
    dinv = lax.rsqrt(deg)
    hs = h_ref[...] * dinv[:, None]
    for q in range(NQ):
        hs4_ref[q] = hs[:, q * DQ:(q + 1) * DQ]


def _scale(h, hist):
    return pl.pallas_call(
        _scale_body,
        grid=(NPAD // MM_BLK,),
        in_specs=[
            pl.BlockSpec((MM_BLK, D), lambda i: (i, 0)),
            pl.BlockSpec((NW, MM_BLK), lambda i: (0, i)),
        ],
        out_specs=pl.BlockSpec((NQ, MM_BLK, DQ), lambda i: (0, i, 0)),
        out_shape=jax.ShapeDtypeStruct((NQ, NPAD, DQ), jnp.float32),
    )(h, hist)


def _scatter_add(hs4, srcs, dsts):
    mesh = plsc.VectorSubcoreMesh(core_axis_name="c", subcore_axis_name="s")

    @functools.partial(
        pl.kernel,
        out_type=jax.ShapeDtypeStruct((NQ, NPAD, DQ), jnp.float32),
        mesh=mesh,
        scratch_types=[
            pltpu.VMEM((CHUNKS, K), jnp.int32),
            pltpu.VMEM((CHUNKS, K), jnp.int32),
            pltpu.VMEM((NBUF, K, DQ), jnp.float32),
            pltpu.VMEM_SHARED((NPAD, DQ), jnp.float32),
            pltpu.VMEM_SHARED((NPAD, DQ), jnp.float32),
        ] + [pltpu.SemaphoreType.DMA] * (2 * NBUF),
        compiler_params=_sc_compiler_params(use_tc_tiling_on_sc=False),
    )
    def k(hs_hbm, src_hbm, dst_hbm, out_hbm, src_v, dst_v, rows_v, acc_sh,
          tab_sh, *sems):
        c = lax.axis_index("c")
        s = lax.axis_index("s")
        pltpu.sync_copy(src_hbm.at[s], src_v)
        pltpu.sync_copy(dst_hbm.at[s], dst_v)
        r0 = s * RPT

        gsems = sems[:NBUF]
        ssems = sems[NBUF:]

        def g_start(j, buf):
            pltpu.async_copy(tab_sh.at[src_v.at[j]], rows_v.at[buf],
                             gsems[buf])

        def g_wait(buf):
            pltpu.make_async_copy(
                tab_sh.at[src_v.at[0]], rows_v.at[buf], gsems[buf]).wait()

        def s_start(j, buf):
            pltpu.async_copy(rows_v.at[buf], acc_sh.at[dst_v.at[j]],
                             ssems[buf], add=True)

        def s_wait(buf):
            pltpu.make_async_copy(
                rows_v.at[buf], acc_sh.at[dst_v.at[0]], ssems[buf]).wait()

        for p in range(2):
            hs_q = hs_hbm.at[2 * c + p]
            pltpu.sync_copy(hs_q.at[pl.ds(r0, RPT)],
                            acc_sh.at[pl.ds(r0, RPT)])
            pltpu.sync_copy(hs_q.at[pl.ds(r0, RPT)],
                            tab_sh.at[pl.ds(r0, RPT)])
            plsc.subcore_barrier()

            for b in range(NBUF):
                g_start(b, b)

            @pl.loop(0, CHUNKS - NBUF, step=NBUF)
            def _main(j):
                for b in range(NBUF):
                    g_wait(b)
                    s_start(j + b, b)
                for b in range(NBUF):
                    s_wait(b)
                    g_start(j + NBUF + b, b)

            for b in range(NBUF):
                g_wait(b)
                s_start(CHUNKS - NBUF + b, b)
            for b in range(NBUF):
                s_wait(b)

            plsc.subcore_barrier()
            pltpu.sync_copy(acc_sh.at[pl.ds(r0, RPT)],
                            out_hbm.at[2 * c + p].at[pl.ds(r0, RPT)])
            plsc.subcore_barrier()

    return k(hs4, srcs, dsts)


def _post_body(acc_ref, hist_ref, b_ref, o_ref):
    total = jnp.concatenate([acc_ref[q] for q in range(NQ)], axis=1)
    deg = 1.0 + jnp.sum(hist_ref[...], axis=0)
    dinv = lax.rsqrt(deg)
    v = total * dinv[:, None] + b_ref[...]
    o_ref[...] = v * jnp.tanh(jax.nn.softplus(v))


def _post(acc, hist, b2):
    return pl.pallas_call(
        _post_body,
        grid=(NPAD // MM_BLK,),
        in_specs=[
            pl.BlockSpec((NQ, MM_BLK, DQ), lambda i: (0, i, 0)),
            pl.BlockSpec((NW, MM_BLK), lambda i: (0, i)),
            pl.BlockSpec((1, D), lambda i: (0, 0)),
        ],
        out_specs=pl.BlockSpec((MM_BLK, D), lambda i: (i, 0)),
        out_shape=jax.ShapeDtypeStruct((NPAD, D), jnp.float32),
    )(acc, hist, b2)


def kernel(x, edge_index, W, b):
    n = x.shape[0]
    e = edge_index.shape[1]
    src = edge_index[0]
    dst = edge_index[1]
    pad = EPAD - e
    fill = jnp.full((pad,), n, jnp.int32)
    src_p = jnp.concatenate([src, fill]).reshape(NS, CHUNKS, K)
    dst_p = jnp.concatenate([dst, fill])
    dst_flat = dst_p.reshape(NW, EDT)
    dst_p = dst_p.reshape(NS, CHUNKS, K)
    x_pad = jnp.concatenate([x, jnp.zeros((NPAD - n, D), x.dtype)])

    hist = _deg_hist(dst_flat)
    h = _matmul(x_pad, W)
    hs4 = _scale(h, hist)
    acc = _scatter_add(hs4, src_p, dst_p)
    return _post(acc, hist, b.reshape(1, D))[:n]

# --- scband reference (transcript-rebuilt; emitter-appended) ---
"""Pipeline reference for scband-encoder-953482739902 (READ-ONLY COPY).

The authoritative reference and input builder live on the scoring server;
editing this copy changes nothing except your own understanding.
"""

import jax, jax.numpy as jnp
import numpy as np

N = 10000
E = 320000
D_IN = 128
D_H = 128


def setup_inputs(seed: int = 0) -> dict:
    key = jax.random.key(seed)
    k1, k2, k3 = jax.random.split(key, 3)
    x = jax.random.normal(k1, (N, D_IN), dtype=jnp.float32)
    edge_index = jax.random.randint(k2, (2, E), 0, N, dtype=jnp.int32)
    # GCNConv parameters (glorot weight, zero bias)
    limit = float(np.sqrt(6.0 / (D_IN + D_H)))
    W = jax.random.uniform(k3, (D_IN, D_H), dtype=jnp.float32, minval=-limit, maxval=limit)
    b = jnp.zeros((D_H,), dtype=jnp.float32)
    return {"x": x, "edge_index": edge_index, "W": W, "b": b}


def mish(v):
    return v * jnp.tanh(jax.nn.softplus(v))


def reference(x, edge_index, W, b):
    n = x.shape[0]
    src = edge_index[0]
    dst = edge_index[1]
    # add self loops (GCNConv default)
    loop = jnp.arange(n, dtype=src.dtype)
    src = jnp.concatenate([src, loop])
    dst = jnp.concatenate([dst, loop])
    # symmetric normalization: deg computed on destination nodes
    deg = jax.ops.segment_sum(jnp.ones_like(dst, dtype=x.dtype), dst, num_segments=n)
    dinv = jnp.where(deg > 0, jax.lax.rsqrt(jnp.maximum(deg, 1e-12)), 0.0)
    norm = dinv[src] * dinv[dst]
    # linear transform then propagate
    h = x @ W
    msg = h[src] * norm[:, None]
    out = jax.ops.segment_sum(msg, dst, num_segments=n) + b
    # Mish activation
    return mish(out)

if __name__ == "__main__":
    import jax
    _d = setup_inputs()
    print(jax.jit(kernel)(*tuple(_d.values())))

</pallas_src>

<mosaic_0001>
#map = affine_map<(d0, d1) -> (0, 0)>
module attributes {stable_mosaic.version = 14 : i64} {
  func.func @k(%arg0: i32, %arg1: i32, %arg2: memref<32x10240xi32, #tpu.memory_space<hbm>>, %arg3: memref<32x10240xf32, #tpu.memory_space<hbm>>, %arg4: memref<10240xi32, #tpu.memory_space<vmem>>, %arg5: memref<10240xf32, #tpu.memory_space<vmem>>) attributes {dimension_semantics = [#tpu.dimension_semantics<core_parallel>, #tpu.dimension_semantics<subcore_parallel>], iteration_bounds = array<i64: 2, 16>, scalar_prefetch = 0 : i64, scratch_operands = 2 : i64, tpu.core_type = #tpu.core_type<sc_vector_subcore>, window_params = [{transform_indices = #map}, {transform_indices = #map}]} {
    %mul3A = arith.constant 16 : i32
    %mul3A_0 = arith.muli %arg0, %mul3A : i32
    %add3A = arith.addi %mul3A_0, %arg1 : i32
    "tpu.region"() ({
      %run_scoped3A = tpu.sem_alloc : memref<!tpu.dma_semaphore, #tpu.memory_space<semaphore_mem>>
      %dma_start3A = arith.constant 0 : i32
      %dma_start3A_11 = tpu.memref_slice %arg2[%add3A, %dma_start3A] : memref<32x10240xi32, #tpu.memory_space<hbm>> -> memref<1x10240xi32, #tpu.memory_space<hbm>>
      %dma_start3A_12 = tpu.memref_squeeze %dma_start3A_11 : memref<1x10240xi32, #tpu.memory_space<hbm>> -> memref<10240xi32, #tpu.memory_space<hbm>>
      %dma_start3A_13 = arith.constant 0 : i32
      %dma_start3A_14 = tpu.memref_slice %arg2[%add3A, %dma_start3A_13] : memref<32x10240xi32, #tpu.memory_space<hbm>> -> memref<1x10240xi32, #tpu.memory_space<hbm>>
      %dma_start3A_15 = tpu.memref_squeeze %dma_start3A_14 : memref<1x10240xi32, #tpu.memory_space<hbm>> -> memref<10240xi32, #tpu.memory_space<hbm>>
      tpu.enqueue_dma source(%dma_start3A_15 : memref<10240xi32, #tpu.memory_space<hbm>>) target(%arg4 : memref<10240xi32, #tpu.memory_space<vmem>>) target_semaphore(%run_scoped3A : memref<!tpu.dma_semaphore, #tpu.memory_space<semaphore_mem>>)
      %dma_wait3A = arith.constant 0 : i32
      %dma_wait3A_16 = tpu.memref_slice %arg2[%add3A, %dma_wait3A] : memref<32x10240xi32, #tpu.memory_space<hbm>> -> memref<1x10240xi32, #tpu.memory_space<hbm>>
      %dma_wait3A_17 = tpu.memref_squeeze %dma_wait3A_16 : memref<1x10240xi32, #tpu.memory_space<hbm>> -> memref<10240xi32, #tpu.memory_space<hbm>>
      %dma_wait3A_18 = arith.constant 0 : i32
      %dma_wait3A_19 = tpu.memref_slice %arg2[%add3A, %dma_wait3A_18] : memref<32x10240xi32, #tpu.memory_space<hbm>> -> memref<1x10240xi32, #tpu.memory_space<hbm>>
      %dma_wait3A_20 = tpu.memref_squeeze %dma_wait3A_19 : memref<1x10240xi32, #tpu.memory_space<hbm>> -> memref<10240xi32, #tpu.memory_space<hbm>>
      tpu.wait_dma2 semaphore(%run_scoped3A : memref<!tpu.dma_semaphore, #tpu.memory_space<semaphore_mem>>) src(%dma_wait3A_20 : memref<10240xi32, #tpu.memory_space<hbm>>) dst(%arg4 : memref<10240xi32, #tpu.memory_space<vmem>>)
      tpu.yield
    }) : () -> ()
    %scan3A = arith.constant 0 : i32
    %scan3A_1 = arith.constant 640 : i32
    %scan3A_2 = arith.addi %scan3A, %scan3A_1 : i32
    %scan3A_3 = arith.constant 1 : i32
    scf.for %scan3A_11 = %scan3A to %scan3A_2 step %scan3A_3  : i32 {
      %mul3A_12 = arith.constant 16 : i32
      %mul3A_13 = arith.muli %scan3A_11, %mul3A_12 : i32
      %add3A_14 = arith.constant 0 : i32
      %add3A_15 = arith.addi %add3A_14, %mul3A_13 : i32
      %broadcast_in_dim3A_16 = arith.constant 0.000000e+00 : f32
      %broadcast_in_dim3A_17 = vector.broadcast %broadcast_in_dim3A_16 : f32 to vector<16xf32>
      %swap3A = arith.index_cast %add3A_15 : i32 to index
      %swap3A_18 = tpu.vector_load %arg5[%swap3A] {strides = array<i32>} : memref<10240xf32, #tpu.memory_space<vmem>>, vector<16xf32>,
      tpu.vector_store %arg5[%swap3A], %broadcast_in_dim3A_17 {strides = array<i32>} : memref<10240xf32, #tpu.memory_space<vmem>>, vector<16xf32>,
    }
    %scan3A_4 = arith.constant 640 : i32
    %broadcast_in_dim3A = arith.constant 1.000000e+00 : f32
    %broadcast_in_dim3A_5 = vector.broadcast %broadcast_in_dim3A : f32 to vector<16xf32>
    %scan3A_6 = arith.constant 0 : i32
    %scan3A_7 = arith.constant 640 : i32
    %scan3A_8 = arith.addi %scan3A_6, %scan3A_7 : i32
    %scan3A_9 = arith.constant 1 : i32
    scf.for %scan3A_11 = %scan3A_6 to %scan3A_8 step %scan3A_9  : i32 {
      %mul3A_12 = arith.constant 16 : i32
      %mul3A_13 = arith.muli %scan3A_11, %mul3A_12 : i32
      %add3A_14 = arith.constant 0 : i32
      %add3A_15 = arith.addi %add3A_14, %mul3A_13 : i32
      %get3A = arith.index_cast %add3A_15 : i32 to index
      %get3A_16 = tpu.vector_load %arg4[%get3A] {strides = array<i32>} : memref<10240xi32, #tpu.memory_space<vmem>>, vector<16xi32>,
      tpu.vector_store_idx %arg5[%get3A_16], %broadcast_in_dim3A_5 {add = true} : memref<10240xf32, #tpu.memory_space<vmem>>[vector<16xi32>], vector<16xf32>,
    }
    %scan3A_10 = arith.constant 640 : i32
    "tpu.region"() ({
      %run_scoped3A = tpu.sem_alloc : memref<!tpu.dma_semaphore, #tpu.memory_space<semaphore_mem>>
      %dma_start3A = arith.constant 0 : i32
      %dma_start3A_11 = tpu.memref_slice %arg3[%add3A, %dma_start3A] : memref<32x10240xf32, #tpu.memory_space<hbm>> -> memref<1x10240xf32, #tpu.memory_space<hbm>>
      %dma_start3A_12 = tpu.memref_squeeze %dma_start3A_11 : memref<1x10240xf32, #tpu.memory_space<hbm>> -> memref<10240xf32, #tpu.memory_space<hbm>>
      %dma_start3A_13 = arith.constant 0 : i32
      %dma_start3A_14 = tpu.memref_slice %arg3[%add3A, %dma_start3A_13] : memref<32x10240xf32, #tpu.memory_space<hbm>> -> memref<1x10240xf32, #tpu.memory_space<hbm>>
      %dma_start3A_15 = tpu.memref_squeeze %dma_start3A_14 : memref<1x10240xf32, #tpu.memory_space<hbm>> -> memref<10240xf32, #tpu.memory_space<hbm>>
      tpu.enqueue_dma source(%arg5 : memref<10240xf32, #tpu.memory_space<vmem>>) target(%dma_start3A_15 : memref<10240xf32, #tpu.memory_space<hbm>>) target_semaphore(%run_scoped3A : memref<!tpu.dma_semaphore, #tpu.memory_space<semaphore_mem>>)
      %dma_wait3A = arith.constant 0 : i32
      %dma_wait3A_16 = tpu.memref_slice %arg3[%add3A, %dma_wait3A] : memref<32x10240xf32, #tpu.memory_space<hbm>> -> memref<1x10240xf32, #tpu.memory_space<hbm>>
      %dma_wait3A_17 = tpu.memref_squeeze %dma_wait3A_16 : memref<1x10240xf32, #tpu.memory_space<hbm>> -> memref<10240xf32, #tpu.memory_space<hbm>>
      %dma_wait3A_18 = arith.constant 0 : i32
      %dma_wait3A_19 = tpu.memref_slice %arg3[%add3A, %dma_wait3A_18] : memref<32x10240xf32, #tpu.memory_space<hbm>> -> memref<1x10240xf32, #tpu.memory_space<hbm>>
      %dma_wait3A_20 = tpu.memref_squeeze %dma_wait3A_19 : memref<1x10240xf32, #tpu.memory_space<hbm>> -> memref<10240xf32, #tpu.memory_space<hbm>>
      tpu.wait_dma2 semaphore(%run_scoped3A : memref<!tpu.dma_semaphore, #tpu.memory_space<semaphore_mem>>) src(%arg5 : memref<10240xf32, #tpu.memory_space<vmem>>) dst(%dma_wait3A_20 : memref<10240xf32, #tpu.memory_space<hbm>>)
      tpu.yield
    }) : () -> ()
    return
  }
}

#map = affine_map<(d0, d1) -> (0, 0, 0)>
module attributes {stable_mosaic.version = 14 : i64} {
  func.func @k(%arg0: i32, %arg1: i32, %arg2: memref<4x10240x32xf32, #tpu.memory_space<hbm>>, %arg3: memref<16x80x256xi32, #tpu.memory_space<hbm>>, %arg4: memref<16x80x256xi32, #tpu.memory_space<hbm>>, %arg5: memref<4x10240x32xf32, #tpu.memory_space<hbm>>, %arg6: memref<80x256xi32, #tpu.memory_space<vmem>>, %arg7: memref<80x256xi32, #tpu.memory_space<vmem>>, %arg8: memref<2x256x32xf32, #tpu.memory_space<vmem>>, %arg9: memref<10240x32xf32, #tpu.memory_space<vmem_shared>>, %arg10: memref<10240x32xf32, #tpu.memory_space<vmem_shared>>, %arg11: memref<!tpu.dma_semaphore, #tpu.memory_space<semaphore_mem>>, %arg12: memref<!tpu.dma_semaphore, #tpu.memory_space<semaphore_mem>>, %arg13: memref<!tpu.dma_semaphore, #tpu.memory_space<semaphore_mem>>, %arg14: memref<!tpu.dma_semaphore, #tpu.memory_space<semaphore_mem>>) attributes {dimension_semantics = [#tpu.dimension_semantics<core_parallel>, #tpu.dimension_semantics<subcore_parallel>], iteration_bounds = array<i64: 2, 16>, scalar_prefetch = 0 : i64, scratch_operands = 9 : i64, tpu.core_type = #tpu.core_type<sc_vector_subcore>, window_params = [{transform_indices = #map}, {transform_indices = #map}, {transform_indices = #map}, {transform_indices = #map}]} {
    "tpu.region"() ({
      %run_scoped3A = tpu.sem_alloc : memref<!tpu.dma_semaphore, #tpu.memory_space<semaphore_mem>>
      %dma_start3A_220 = arith.constant 0 : i32
      %dma_start3A_221 = arith.constant 0 : i32
      %dma_start3A_222 = tpu.memref_slice %arg3[%arg1, %dma_start3A_220, %dma_start3A_221] : memref<16x80x256xi32, #tpu.memory_space<hbm>> -> memref<1x80x256xi32, #tpu.memory_space<hbm>>
      %dma_start3A_223 = tpu.memref_squeeze %dma_start3A_222 : memref<1x80x256xi32, #tpu.memory_space<hbm>> -> memref<80x256xi32, #tpu.memory_space<hbm>>
      %dma_start3A_224 = arith.constant 0 : i32
      %dma_start3A_225 = arith.constant 0 : i32
      %dma_start3A_226 = tpu.memref_slice %arg3[%arg1, %dma_start3A_224, %dma_start3A_225] : memref<16x80x256xi32, #tpu.memory_space<hbm>> -> memref<1x80x256xi32, #tpu.memory_space<hbm>>
      %dma_start3A_227 = tpu.memref_squeeze %dma_start3A_226 : memref<1x80x256xi32, #tpu.memory_space<hbm>> -> memref<80x256xi32, #tpu.memory_space<hbm>>
      tpu.enqueue_dma source(%dma_start3A_227 : memref<80x256xi32, #tpu.memory_space<hbm>>) target(%arg6 : memref<80x256xi32, #tpu.memory_space<vmem>>) target_semaphore(%run_scoped3A : memref<!tpu.dma_semaphore, #tpu.memory_space<semaphore_mem>>)
      %dma_wait3A_228 = arith.constant 0 : i32
      %dma_wait3A_229 = arith.constant 0 : i32
      %dma_wait3A_230 = tpu.memref_slice %arg3[%arg1, %dma_wait3A_228, %dma_wait3A_229] : memref<16x80x256xi32, #tpu.memory_space<hbm>> -> memref<1x80x256xi32, #tpu.memory_space<hbm>>
      %dma_wait3A_231 = tpu.memref_squeeze %dma_wait3A_230 : memref<1x80x256xi32, #tpu.memory_space<hbm>> -> memref<80x256xi32, #tpu.memory_space<hbm>>
      %dma_wait3A_232 = arith.constant 0 : i32
      %dma_wait3A_233 = arith.constant 0 : i32
      %dma_wait3A_234 = tpu.memref_slice %arg3[%arg1, %dma_wait3A_232, %dma_wait3A_233] : memref<16x80x256xi32, #tpu.memory_space<hbm>> -> memref<1x80x256xi32, #tpu.memory_space<hbm>>
      %dma_wait3A_235 = tpu.memref_squeeze %dma_wait3A_234 : memref<1x80x256xi32, #tpu.memory_space<hbm>> -> memref<80x256xi32, #tpu.memory_space<hbm>>
      tpu.wait_dma2 semaphore(%run_scoped3A : memref<!tpu.dma_semaphore, #tpu.memory_space<semaphore_mem>>) src(%dma_wait3A_235 : memref<80x256xi32, #tpu.memory_space<hbm>>) dst(%arg6 : memref<80x256xi32, #tpu.memory_space<vmem>>)
      tpu.yield
    }) : () -> ()
    "tpu.region"() ({
      %run_scoped3A = tpu.sem_alloc : memref<!tpu.dma_semaphore, #tpu.memory_space<semaphore_mem>>
      %dma_start3A_220 = arith.constant 0 : i32
      %dma_start3A_221 = arith.constant 0 : i32
      %dma_start3A_222 = tpu.memref_slice %arg4[%arg1, %dma_start3A_220, %dma_start3A_221] : memref<16x80x256xi32, #tpu.memory_space<hbm>> -> memref<1x80x256xi32, #tpu.memory_space<hbm>>
      %dma_start3A_223 = tpu.memref_squeeze %dma_start3A_222 : memref<1x80x256xi32, #tpu.memory_space<hbm>> -> memref<80x256xi32, #tpu.memory_space<hbm>>
      %dma_start3A_224 = arith.constant 0 : i32
      %dma_start3A_225 = arith.constant 0 : i32
      %dma_start3A_226 = tpu.memref_slice %arg4[%arg1, %dma_start3A_224, %dma_start3A_225] : memref<16x80x256xi32, #tpu.memory_space<hbm>> -> memref<1x80x256xi32, #tpu.memory_space<hbm>>
      %dma_start3A_227 = tpu.memref_squeeze %dma_start3A_226 : memref<1x80x256xi32, #tpu.memory_space<hbm>> -> memref<80x256xi32, #tpu.memory_space<hbm>>
      tpu.enqueue_dma source(%dma_start3A_227 : memref<80x256xi32, #tpu.memory_space<hbm>>) target(%arg7 : memref<80x256xi32, #tpu.memory_space<vmem>>) target_semaphore(%run_scoped3A : memref<!tpu.dma_semaphore, #tpu.memory_space<semaphore_mem>>)
      %dma_wait3A_228 = arith.constant 0 : i32
      %dma_wait3A_229 = arith.constant 0 : i32
      %dma_wait3A_230 = tpu.memref_slice %arg4[%arg1, %dma_wait3A_228, %dma_wait3A_229] : memref<16x80x256xi32, #tpu.memory_space<hbm>> -> memref<1x80x256xi32, #tpu.memory_space<hbm>>
      %dma_wait3A_231 = tpu.memref_squeeze %dma_wait3A_230 : memref<1x80x256xi32, #tpu.memory_space<hbm>> -> memref<80x256xi32, #tpu.memory_space<hbm>>
      %dma_wait3A_232 = arith.constant 0 : i32
      %dma_wait3A_233 = arith.constant 0 : i32
      %dma_wait3A_234 = tpu.memref_slice %arg4[%arg1, %dma_wait3A_232, %dma_wait3A_233] : memref<16x80x256xi32, #tpu.memory_space<hbm>> -> memref<1x80x256xi32, #tpu.memory_space<hbm>>
      %dma_wait3A_235 = tpu.memref_squeeze %dma_wait3A_234 : memref<1x80x256xi32, #tpu.memory_space<hbm>> -> memref<80x256xi32, #tpu.memory_space<hbm>>
      tpu.wait_dma2 semaphore(%run_scoped3A : memref<!tpu.dma_semaphore, #tpu.memory_space<semaphore_mem>>) src(%dma_wait3A_235 : memref<80x256xi32, #tpu.memory_space<hbm>>) dst(%arg7 : memref<80x256xi32, #tpu.memory_space<vmem>>)
      tpu.yield
    }) : () -> ()
    %mul3A = arith.constant 640 : i32
    %mul3A_0 = arith.muli %arg1, %mul3A : i32
    %mul3A_1 = arith.constant 2 : i32
    %mul3A_2 = arith.muli %mul3A_1, %arg0 : i32
    %add3A = arith.constant 0 : i32
    %add3A_3 = arith.addi %mul3A_2, %add3A : i32
    "tpu.region"() ({
      %run_scoped3A = tpu.sem_alloc : memref<!tpu.dma_semaphore, #tpu.memory_space<semaphore_mem>>
      %dma_start3A_220 = arith.constant 0 : i32
      %dma_start3A_221 = tpu.memref_slice %arg9[%mul3A_0, %dma_start3A_220] : memref<10240x32xf32, #tpu.memory_space<vmem_shared>> -> memref<640x32xf32, #tpu.memory_space<vmem_shared>>
      %dma_start3A_222 = arith.constant 0 : i32
      %dma_start3A_223 = arith.constant 0 : i32
      %dma_start3A_224 = tpu.memref_slice %arg2[%add3A_3, %dma_start3A_222, %dma_start3A_223] : memref<4x10240x32xf32, #tpu.memory_space<hbm>> -> memref<1x10240x32xf32, #tpu.memory_space<hbm>>
      %dma_start3A_225 = tpu.memref_squeeze %dma_start3A_224 : memref<1x10240x32xf32, #tpu.memory_space<hbm>> -> memref<10240x32xf32, #tpu.memory_space<hbm>>
      %dma_start3A_226 = arith.constant 0 : i32
      %dma_start3A_227 = tpu.memref_slice %dma_start3A_225[%mul3A_0, %dma_start3A_226] : memref<10240x32xf32, #tpu.memory_space<hbm>> -> memref<640x32xf32, #tpu.memory_space<hbm>>
      tpu.enqueue_dma source(%dma_start3A_227 : memref<640x32xf32, #tpu.memory_space<hbm>>) target(%dma_start3A_221 : memref<640x32xf32, #tpu.memory_space<vmem_shared>>) target_semaphore(%run_scoped3A : memref<!tpu.dma_semaphore, #tpu.memory_space<semaphore_mem>>)
      %dma_wait3A_228 = arith.constant 0 : i32
      %dma_wait3A_229 = tpu.memref_slice %arg9[%mul3A_0, %dma_wait3A_228] : memref<10240x32xf32, #tpu.memory_space<vmem_shared>> -> memref<640x32xf32, #tpu.memory_space<vmem_shared>>
      %dma_wait3A_230 = arith.constant 0 : i32
      %dma_wait3A_231 = arith.constant 0 : i32
      %dma_wait3A_232 = tpu.memref_slice %arg2[%add3A_3, %dma_wait3A_230, %dma_wait3A_231] : memref<4x10240x32xf32, #tpu.memory_space<hbm>> -> memref<1x10240x32xf32, #tpu.memory_space<hbm>>
      %dma_wait3A_233 = tpu.memref_squeeze %dma_wait3A_232 : memref<1x10240x32xf32, #tpu.memory_space<hbm>> -> memref<10240x32xf32, #tpu.memory_space<hbm>>
      %dma_wait3A_234 = arith.constant 0 : i32
      %dma_wait3A_235 = tpu.memref_slice %dma_wait3A_233[%mul3A_0, %dma_wait3A_234] : memref<10240x32xf32, #tpu.memory_space<hbm>> -> memref<640x32xf32, #tpu.memory_space<hbm>>
      tpu.wait_dma2 semaphore(%run_scoped3A : memref<!tpu.dma_semaphore, #tpu.memory_space<semaphore_mem>>) src(%dma_wait3A_235 : memref<640x32xf32, #tpu.memory_space<hbm>>) dst(%dma_wait3A_229 : memref<640x32xf32, #tpu.memory_space<vmem_shared>>)
      tpu.yield
    }) : () -> ()
    "tpu.region"() ({
      %run_scoped3A = tpu.sem_alloc : memref<!tpu.dma_semaphore, #tpu.memory_space<semaphore_mem>>
      %dma_start3A_220 = arith.constant 0 : i32
      %dma_start3A_221 = tpu.memref_slice %arg10[%mul3A_0, %dma_start3A_220] : memref<10240x32xf32, #tpu.memory_space<vmem_shared>> -> memref<640x32xf32, #tpu.memory_space<vmem_shared>>
      %dma_start3A_222 = arith.constant 0 : i32
      %dma_start3A_223 = arith.constant 0 : i32
      %dma_start3A_224 = tpu.memref_slice %arg2[%add3A_3, %dma_start3A_222, %dma_start3A_223] : memref<4x10240x32xf32, #tpu.memory_space<hbm>> -> memref<1x10240x32xf32, #tpu.memory_space<hbm>>
      %dma_start3A_225 = tpu.memref_squeeze %dma_start3A_224 : memref<1x10240x32xf32, #tpu.memory_space<hbm>> -> memref<10240x32xf32, #tpu.memory_space<hbm>>
      %dma_start3A_226 = arith.constant 0 : i32
      %dma_start3A_227 = tpu.memref_slice %dma_start3A_225[%mul3A_0, %dma_start3A_226] : memref<10240x32xf32, #tpu.memory_space<hbm>> -> memref<640x32xf32, #tpu.memory_space<hbm>>
      tpu.enqueue_dma source(%dma_start3A_227 : memref<640x32xf32, #tpu.memory_space<hbm>>) target(%dma_start3A_221 : memref<640x32xf32, #tpu.memory_space<vmem_shared>>) target_semaphore(%run_scoped3A : memref<!tpu.dma_semaphore, #tpu.memory_space<semaphore_mem>>)
      %dma_wait3A_228 = arith.constant 0 : i32
      %dma_wait3A_229 = tpu.memref_slice %arg10[%mul3A_0, %dma_wait3A_228] : memref<10240x32xf32, #tpu.memory_space<vmem_shared>> -> memref<640x32xf32, #tpu.memory_space<vmem_shared>>
      %dma_wait3A_230 = arith.constant 0 : i32
      %dma_wait3A_231 = arith.constant 0 : i32
      %dma_wait3A_232 = tpu.memref_slice %arg2[%add3A_3, %dma_wait3A_230, %dma_wait3A_231] : memref<4x10240x32xf32, #tpu.memory_space<hbm>> -> memref<1x10240x32xf32, #tpu.memory_space<hbm>>
      %dma_wait3A_233 = tpu.memref_squeeze %dma_wait3A_232 : memref<1x10240x32xf32, #tpu.memory_space<hbm>> -> memref<10240x32xf32, #tpu.memory_space<hbm>>
      %dma_wait3A_234 = arith.constant 0 : i32
      %dma_wait3A_235 = tpu.memref_slice %dma_wait3A_233[%mul3A_0, %dma_wait3A_234] : memref<10240x32xf32, #tpu.memory_space<hbm>> -> memref<640x32xf32, #tpu.memory_space<hbm>>
      tpu.wait_dma2 semaphore(%run_scoped3A : memref<!tpu.dma_semaphore, #tpu.memory_space<semaphore_mem>>) src(%dma_wait3A_235 : memref<640x32xf32, #tpu.memory_space<hbm>>) dst(%dma_wait3A_229 : memref<640x32xf32, #tpu.memory_space<vmem_shared>>)
      tpu.yield
    }) : () -> ()
    %barrier3A = arith.constant 0 : index
    tpu.barrier barrier_id(%barrier3A)
    %dma_start3A = arith.constant 0 : i32
    %dma_start3A_4 = arith.constant 0 : i32
    %dma_start3A_5 = arith.constant 0 : i32
    %dma_start3A_6 = arith.constant 0 : i32
    %dma_start3A_7 = tpu.memref_slice %arg8[%dma_start3A_4, %dma_start3A_5, %dma_start3A_6] : memref<2x256x32xf32, #tpu.memory_space<vmem>> -> memref<1x256x32xf32, #tpu.memory_space<vmem>>
    %dma_start3A_8 = tpu.memref_squeeze %dma_start3A_7 : memref<1x256x32xf32, #tpu.memory_space<vmem>> -> memref<256x32xf32, #tpu.memory_space<vmem>>
    %dma_start3A_9 = arith.constant 0 : i32
    %dma_start3A_10 = tpu.memref_slice %arg6[%dma_start3A, %dma_start3A_9] : memref<80x256xi32, #tpu.memory_space<vmem>> -> memref<1x256xi32, #tpu.memory_space<vmem>>
    %dma_start3A_11 = tpu.memref_squeeze %dma_start3A_10 : memref<1x256xi32, #tpu.memory_space<vmem>> -> memref<256xi32, #tpu.memory_space<vmem>>
    %dma_start3A_12 = arith.constant 0 : i32
    %dma_start3A_13 = arith.constant 0 : i32
    %dma_start3A_14 = tpu.memref_slice %arg10[%dma_start3A_12, %dma_start3A_13] : memref<10240x32xf32, #tpu.memory_space<vmem_shared>> -> memref<10240x32xf32, #tpu.memory_space<vmem_shared>>
    tpu.enqueue_indirect_dma source(%dma_start3A_14 : memref<10240x32xf32, #tpu.memory_space<vmem_shared>>) target(%dma_start3A_8 : memref<256x32xf32, #tpu.memory_space<vmem>>) offsets(%dma_start3A_11 : memref<256xi32, #tpu.memory_space<vmem>>) semaphore(%arg11 : memref<!tpu.dma_semaphore, #tpu.memory_space<semaphore_mem>>)
    %dma_start3A_15 = arith.constant 1 : i32
    %dma_start3A_16 = arith.constant 1 : i32
    %dma_start3A_17 = arith.constant 0 : i32
    %dma_start3A_18 = arith.constant 0 : i32
    %dma_start3A_19 = tpu.memref_slice %arg8[%dma_start3A_16, %dma_start3A_17, %dma_start3A_18] : memref<2x256x32xf32, #tpu.memory_space<vmem>> -> memref<1x256x32xf32, #tpu.memory_space<vmem>>
    %dma_start3A_20 = tpu.memref_squeeze %dma_start3A_19 : memref<1x256x32xf32, #tpu.memory_space<vmem>> -> memref<256x32xf32, #tpu.memory_space<vmem>>
    %dma_start3A_21 = arith.constant 0 : i32
    %dma_start3A_22 = tpu.memref_slice %arg6[%dma_start3A_15, %dma_start3A_21] : memref<80x256xi32, #tpu.memory_space<vmem>> -> memref<1x256xi32, #tpu.memory_space<vmem>>
    %dma_start3A_23 = tpu.memref_squeeze %dma_start3A_22 : memref<1x256xi32, #tpu.memory_space<vmem>> -> memref<256xi32, #tpu.memory_space<vmem>>
    %dma_start3A_24 = arith.constant 0 : i32
    %dma_start3A_25 = arith.constant 0 : i32
    %dma_start3A_26 = tpu.memref_slice %arg10[%dma_start3A_24, %dma_start3A_25] : memref<10240x32xf32, #tpu.memory_space<vmem_shared>> -> memref<10240x32xf32, #tpu.memory_space<vmem_shared>>
    tpu.enqueue_indirect_dma source(%dma_start3A_26 : memref<10240x32xf32, #tpu.memory_space<vmem_shared>>) target(%dma_start3A_20 : memref<256x32xf32, #tpu.memory_space<vmem>>) offsets(%dma_start3A_23 : memref<256xi32, #tpu.memory_space<vmem>>) semaphore(%arg12 : memref<!tpu.dma_semaphore, #tpu.memory_space<semaphore_mem>>)
    %scan3A = arith.constant 0 : i32
    %scan3A_27 = arith.constant 39 : i32
    %scan3A_28 = arith.addi %scan3A, %scan3A_27 : i32
    %scan3A_29 = arith.constant 1 : i32
    scf.for %scan3A_220 = %scan3A to %scan3A_28 step %scan3A_29  : i32 {
      %mul3A_221 = arith.constant 2 : i32
      %mul3A_222 = arith.muli %scan3A_220, %mul3A_221 : i32
      %add3A_223 = arith.constant 0 : i32
      %add3A_224 = arith.addi %add3A_223, %mul3A_222 : i32
      %dma_wait3A_225 = arith.constant 0 : i32
      %dma_wait3A_226 = arith.constant 0 : i32
      %dma_wait3A_227 = arith.constant 0 : i32
      %dma_wait3A_228 = arith.constant 0 : i32
      %dma_wait3A_229 = tpu.memref_slice %arg8[%dma_wait3A_226, %dma_wait3A_227, %dma_wait3A_228] : memref<2x256x32xf32, #tpu.memory_space<vmem>> -> memref<1x256x32xf32, #tpu.memory_space<vmem>>
      %dma_wait3A_230 = tpu.memref_squeeze %dma_wait3A_229 : memref<1x256x32xf32, #tpu.memory_space<vmem>> -> memref<256x32xf32, #tpu.memory_space<vmem>>
      %dma_wait3A_231 = arith.constant 0 : i32
      %dma_wait3A_232 = tpu.memref_slice %arg6[%dma_wait3A_225, %dma_wait3A_231] : memref<80x256xi32, #tpu.memory_space<vmem>> -> memref<1x256xi32, #tpu.memory_space<vmem>>
      %dma_wait3A_233 = tpu.memref_squeeze %dma_wait3A_232 : memref<1x256xi32, #tpu.memory_space<vmem>> -> memref<256xi32, #tpu.memory_space<vmem>>
      %dma_wait3A_234 = arith.constant 0 : i32
      %dma_wait3A_235 = arith.constant 0 : i32
      %dma_wait3A_236 = tpu.memref_slice %arg10[%dma_wait3A_234, %dma_wait3A_235] : memref<10240x32xf32, #tpu.memory_space<vmem_shared>> -> memref<10240x32xf32, #tpu.memory_space<vmem_shared>>
      tpu.wait_indirect_dma semaphore(%arg11 : memref<!tpu.dma_semaphore, #tpu.memory_space<semaphore_mem>>) src(%dma_wait3A_236 : memref<10240x32xf32, #tpu.memory_space<vmem_shared>>) dst(%dma_wait3A_230 : memref<256x32xf32, #tpu.memory_space<vmem>>)
      %add3A_237 = arith.constant 0 : i32
      %add3A_238 = arith.addi %add3A_224, %add3A_237 : i32
      %dma_start3A_239 = arith.constant 0 : i32
      %dma_start3A_240 = arith.constant 0 : i32
      %dma_start3A_241 = arith.constant 0 : i32
      %dma_start3A_242 = tpu.memref_slice %arg8[%dma_start3A_239, %dma_start3A_240, %dma_start3A_241] : memref<2x256x32xf32, #tpu.memory_space<vmem>> -> memref<1x256x32xf32, #tpu.memory_space<vmem>>
      %dma_start3A_243 = tpu.memref_squeeze %dma_start3A_242 : memref<1x256x32xf32, #tpu.memory_space<vmem>> -> memref<256x32xf32, #tpu.memory_space<vmem>>
      %dma_start3A_244 = arith.constant 0 : i32
      %dma_start3A_245 = tpu.memref_slice %arg7[%add3A_238, %dma_start3A_244] : memref<80x256xi32, #tpu.memory_space<vmem>> -> memref<1x256xi32, #tpu.memory_space<vmem>>
      %dma_start3A_246 = tpu.memref_squeeze %dma_start3A_245 : memref<1x256xi32, #tpu.memory_space<vmem>> -> memref<256xi32, #tpu.memory_space<vmem>>
      %dma_start3A_247 = arith.constant 0 : i32
      %dma_start3A_248 = arith.constant 0 : i32
      %dma_start3A_249 = tpu.memref_slice %arg9[%dma_start3A_247, %dma_start3A_248] : memref<10240x32xf32, #tpu.memory_space<vmem_shared>> -> memref<10240x32xf32, #tpu.memory_space<vmem_shared>>
      tpu.enqueue_indirect_dma source(%dma_start3A_243 : memref<256x32xf32, #tpu.memory_space<vmem>>) target(%dma_start3A_249 : memref<10240x32xf32, #tpu.memory_space<vmem_shared>>) offsets(%dma_start3A_246 : memref<256xi32, #tpu.memory_space<vmem>>) semaphore(%arg13 : memref<!tpu.dma_semaphore, #tpu.memory_space<semaphore_mem>>) {add = true}
      %dma_wait3A_250 = arith.constant 0 : i32
      %dma_wait3A_251 = arith.constant 1 : i32
      %dma_wait3A_252 = arith.constant 0 : i32
      %dma_wait3A_253 = arith.constant 0 : i32
      %dma_wait3A_254 = tpu.memref_slice %arg8[%dma_wait3A_251, %dma_wait3A_252, %dma_wait3A_253] : memref<2x256x32xf32, #tpu.memory_space<vmem>> -> memref<1x256x32xf32, #tpu.memory_space<vmem>>
      %dma_wait3A_255 = tpu.memref_squeeze %dma_wait3A_254 : memref<1x256x32xf32, #tpu.memory_space<vmem>> -> memref<256x32xf32, #tpu.memory_space<vmem>>
      %dma_wait3A_256 = arith.constant 0 : i32
      %dma_wait3A_257 = tpu.memref_slice %arg6[%dma_wait3A_250, %dma_wait3A_256] : memref<80x256xi32, #tpu.memory_space<vmem>> -> memref<1x256xi32, #tpu.memory_space<vmem>>
      %dma_wait3A_258 = tpu.memref_squeeze %dma_wait3A_257 : memref<1x256xi32, #tpu.memory_space<vmem>> -> memref<256xi32, #tpu.memory_space<vmem>>
      %dma_wait3A_259 = arith.constant 0 : i32
      %dma_wait3A_260 = arith.constant 0 : i32
      %dma_wait3A_261 = tpu.memref_slice %arg10[%dma_wait3A_259, %dma_wait3A_260] : memref<10240x32xf32, #tpu.memory_space<vmem_shared>> -> memref<10240x32xf32, #tpu.memory_space<vmem_shared>>
      tpu.wait_indirect_dma semaphore(%arg12 : memref<!tpu.dma_semaphore, #tpu.memory_space<semaphore_mem>>) src(%dma_wait3A_261 : memref<10240x32xf32, #tpu.memory_space<vmem_shared>>) dst(%dma_wait3A_255 : memref<256x32xf32, #tpu.memory_space<vmem>>)
      %add3A_262 = arith.constant 1 : i32
      %add3A_263 = arith.addi %add3A_224, %add3A_262 : i32
      %dma_start3A_264 = arith.constant 1 : i32
      %dma_start3A_265 = arith.constant 0 : i32
      %dma_start3A_266 = arith.constant 0 : i32
      %dma_start3A_267 = tpu.memref_slice %arg8[%dma_start3A_264, %dma_start3A_265, %dma_start3A_266] : memref<2x256x32xf32, #tpu.memory_space<vmem>> -> memref<1x256x32xf32, #tpu.memory_space<vmem>>
      %dma_start3A_268 = tpu.memref_squeeze %dma_start3A_267 : memref<1x256x32xf32, #tpu.memory_space<vmem>> -> memref<256x32xf32, #tpu.memory_space<vmem>>
      %dma_start3A_269 = arith.constant 0 : i32
      %dma_start3A_270 = tpu.memref_slice %arg7[%add3A_263, %dma_start3A_269] : memref<80x256xi32, #tpu.memory_space<vmem>> -> memref<1x256xi32, #tpu.memory_space<vmem>>
      %dma_start3A_271 = tpu.memref_squeeze %dma_start3A_270 : memref<1x256xi32, #tpu.memory_space<vmem>> -> memref<256xi32, #tpu.memory_space<vmem>>
      %dma_start3A_272 = arith.constant 0 : i32
      %dma_start3A_273 = arith.constant 0 : i32
      %dma_start3A_274 = tpu.memref_slice %arg9[%dma_start3A_272, %dma_start3A_273] : memref<10240x32xf32, #tpu.memory_space<vmem_shared>> -> memref<10240x32xf32, #tpu.memory_space<vmem_shared>>
      tpu.enqueue_indirect_dma source(%dma_start3A_268 : memref<256x32xf32, #tpu.memory_space<vmem>>) target(%dma_start3A_274 : memref<10240x32xf32, #tpu.memory_space<vmem_shared>>) offsets(%dma_start3A_271 : memref<256xi32, #tpu.memory_space<vmem>>) semaphore(%arg14 : memref<!tpu.dma_semaphore, #tpu.memory_space<semaphore_mem>>) {add = true}
      %dma_wait3A_275 = arith.constant 0 : i32
      %dma_wait3A_276 = arith.constant 0 : i32
      %dma_wait3A_277 = arith.constant 0 : i32
      %dma_wait3A_278 = arith.constant 0 : i32
      %dma_wait3A_279 = tpu.memref_slice %arg8[%dma_wait3A_275, %dma_wait3A_277, %dma_wait3A_278] : memref<2x256x32xf32, #tpu.memory_space<vmem>> -> memref<1x256x32xf32, #tpu.memory_space<vmem>>
      %dma_wait3A_280 = tpu.memref_squeeze %dma_wait3A_279 : memref<1x256x32xf32, #tpu.memory_space<vmem>> -> memref<256x32xf32, #tpu.memory_space<vmem>>
      %dma_wait3A_281 = arith.constant 0 : i32
      %dma_wait3A_282 = tpu.memref_slice %arg7[%dma_wait3A_276, %dma_wait3A_281] : memref<80x256xi32, #tpu.memory_space<vmem>> -> memref<1x256xi32, #tpu.memory_space<vmem>>
      %dma_wait3A_283 = tpu.memref_squeeze %dma_wait3A_282 : memref<1x256xi32, #tpu.memory_space<vmem>> -> memref<256xi32, #tpu.memory_space<vmem>>
      %dma_wait3A_284 = arith.constant 0 : i32
      %dma_wait3A_285 = arith.constant 0 : i32
      %dma_wait3A_286 = tpu.memref_slice %arg9[%dma_wait3A_284, %dma_wait3A_285] : memref<10240x32xf32, #tpu.memory_space<vmem_shared>> -> memref<10240x32xf32, #tpu.memory_space<vmem_shared>>
      tpu.wait_indirect_dma semaphore(%arg13 : memref<!tpu.dma_semaphore, #tpu.memory_space<semaphore_mem>>) src(%dma_wait3A_280 : memref<256x32xf32, #tpu.memory_space<vmem>>) dst(%dma_wait3A_286 : memref<10240x32xf32, #tpu.memory_space<vmem_shared>>)
      %add3A_287 = arith.constant 2 : i32
      %add3A_288 = arith.addi %add3A_224, %add3A_287 : i32
      %add3A_289 = arith.constant 0 : i32
      %add3A_290 = arith.addi %add3A_288, %add3A_289 : i32
      %dma_start3A_291 = arith.constant 0 : i32
      %dma_start3A_292 = arith.constant 0 : i32
      %dma_start3A_293 = arith.constant 0 : i32
      %dma_start3A_294 = tpu.memref_slice %arg8[%dma_start3A_291, %dma_start3A_292, %dma_start3A_293] : memref<2x256x32xf32, #tpu.memory_space<vmem>> -> memref<1x256x32xf32, #tpu.memory_space<vmem>>
      %dma_start3A_295 = tpu.memref_squeeze %dma_start3A_294 : memref<1x256x32xf32, #tpu.memory_space<vmem>> -> memref<256x32xf32, #tpu.memory_space<vmem>>
      %dma_start3A_296 = arith.constant 0 : i32
      %dma_start3A_297 = tpu.memref_slice %arg6[%add3A_290, %dma_start3A_296] : memref<80x256xi32, #tpu.memory_space<vmem>> -> memref<1x256xi32, #tpu.memory_space<vmem>>
      %dma_start3A_298 = tpu.memref_squeeze %dma_start3A_297 : memref<1x256xi32, #tpu.memory_space<vmem>> -> memref<256xi32, #tpu.memory_space<vmem>>
      %dma_start3A_299 = arith.constant 0 : i32
      %dma_start3A_300 = arith.constant 0 : i32
      %dma_start3A_301 = tpu.memref_slice %arg10[%dma_start3A_299, %dma_start3A_300] : memref<10240x32xf32, #tpu.memory_space<vmem_shared>> -> memref<10240x32xf32, #tpu.memory_space<vmem_shared>>
      tpu.enqueue_indirect_dma source(%dma_start3A_301 : memref<10240x32xf32, #tpu.memory_space<vmem_shared>>) target(%dma_start3A_295 : memref<256x32xf32, #tpu.memory_space<vmem>>) offsets(%dma_start3A_298 : memref<256xi32, #tpu.memory_space<vmem>>) semaphore(%arg11 : memref<!tpu.dma_semaphore, #tpu.memory_space<semaphore_mem>>)
      %dma_wait3A_302 = arith.constant 1 : i32
      %dma_wait3A_303 = arith.constant 0 : i32
      %dma_wait3A_304 = arith.constant 0 : i32
      %dma_wait3A_305 = arith.constant 0 : i32
      %dma_wait3A_306 = tpu.memref_slice %arg8[%dma_wait3A_302, %dma_wait3A_304, %dma_wait3A_305] : memref<2x256x32xf32, #tpu.memory_space<vmem>> -> memref<1x256x32xf32, #tpu.memory_space<vmem>>
      %dma_wait3A_307 = tpu.memref_squeeze %dma_wait3A_306 : memref<1x256x32xf32, #tpu.memory_space<vmem>> -> memref<256x32xf32, #tpu.memory_space<vmem>>
      %dma_wait3A_308 = arith.constant 0 : i32
      %dma_wait3A_309 = tpu.memref_slice %arg7[%dma_wait3A_303, %dma_wait3A_308] : memref<80x256xi32, #tpu.memory_space<vmem>> -> memref<1x256xi32, #tpu.memory_space<vmem>>
      %dma_wait3A_310 = tpu.memref_squeeze %dma_wait3A_309 : memref<1x256xi32, #tpu.memory_space<vmem>> -> memref<256xi32, #tpu.memory_space<vmem>>
      %dma_wait3A_311 = arith.constant 0 : i32
      %dma_wait3A_312 = arith.constant 0 : i32
      %dma_wait3A_313 = tpu.memref_slice %arg9[%dma_wait3A_311, %dma_wait3A_312] : memref<10240x32xf32, #tpu.memory_space<vmem_shared>> -> memref<10240x32xf32, #tpu.memory_space<vmem_shared>>
      tpu.wait_indirect_dma semaphore(%arg14 : memref<!tpu.dma_semaphore, #tpu.memory_space<semaphore_mem>>) src(%dma_wait3A_307 : memref<256x32xf32, #tpu.memory_space<vmem>>) dst(%dma_wait3A_313 : memref<10240x32xf32, #tpu.memory_space<vmem_shared>>)
      %add3A_314 = arith.constant 2 : i32
      %add3A_315 = arith.addi %add3A_224, %add3A_314 : i32
      %add3A_316 = arith.constant 1 : i32
      %add3A_317 = arith.addi %add3A_315, %add3A_316 : i32
      %dma_start3A_318 = arith.constant 1 : i32
      %dma_start3A_319 = arith.constant 0 : i32
      %dma_start3A_320 = arith.constant 0 : i32
      %dma_start3A_321 = tpu.memref_slice %arg8[%dma_start3A_318, %dma_start3A_319, %dma_start3A_320] : memref<2x256x32xf32, #tpu.memory_space<vmem>> -> memref<1x256x32xf32, #tpu.memory_space<vmem>>
      %dma_start3A_322 = tpu.memref_squeeze %dma_start3A_321 : memref<1x256x32xf32, #tpu.memory_space<vmem>> -> memref<256x32xf32, #tpu.memory_space<vmem>>
      %dma_start3A_323 = arith.constant 0 : i32
      %dma_start3A_324 = tpu.memref_slice %arg6[%add3A_317, %dma_start3A_323] : memref<80x256xi32, #tpu.memory_space<vmem>> -> memref<1x256xi32, #tpu.memory_space<vmem>>
      %dma_start3A_325 = tpu.memref_squeeze %dma_start3A_324 : memref<1x256xi32, #tpu.memory_space<vmem>> -> memref<256xi32, #tpu.memory_space<vmem>>
      %dma_start3A_326 = arith.constant 0 : i32
      %dma_start3A_327 = arith.constant 0 : i32
      %dma_start3A_328 = tpu.memref_slice %arg10[%dma_start3A_326, %dma_start3A_327] : memref<10240x32xf32, #tpu.memory_space<vmem_shared>> -> memref<10240x32xf32, #tpu.memory_space<vmem_shared>>
      tpu.enqueue_indirect_dma source(%dma_start3A_328 : memref<10240x32xf32, #tpu.memory_space<vmem_shared>>) target(%dma_start3A_322 : memref<256x32xf32, #tpu.memory_space<vmem>>) offsets(%dma_start3A_325 : memref<256xi32, #tpu.memory_space<vmem>>) semaphore(%arg12 : memref<!tpu.dma_semaphore, #tpu.memory_space<semaphore_mem>>)
    }
    %scan3A_30 = arith.constant 39 : i32
    %dma_wait3A = arith.constant 0 : i32
    %dma_wait3A_31 = arith.constant 0 : i32
    %dma_wait3A_32 = arith.constant 0 : i32
    %dma_wait3A_33 = arith.constant 0 : i32
    %dma_wait3A_34 = tpu.memref_slice %arg8[%dma_wait3A_31, %dma_wait3A_32, %dma_wait3A_33] : memref<2x256x32xf32, #tpu.memory_space<vmem>> -> memref<1x256x32xf32, #tpu.memory_space<vmem>>
    %dma_wait3A_35 = tpu.memref_squeeze %dma_wait3A_34 : memref<1x256x32xf32, #tpu.memory_space<vmem>> -> memref<256x32xf32, #tpu.memory_space<vmem>>
    %dma_wait3A_36 = arith.constant 0 : i32
    %dma_wait3A_37 = tpu.memref_slice %arg6[%dma_wait3A, %dma_wait3A_36] : memref<80x256xi32, #tpu.memory_space<vmem>> -> memref<1x256xi32, #tpu.memory_space<vmem>>
    %dma_wait3A_38 = tpu.memref_squeeze %dma_wait3A_37 : memref<1x256xi32, #tpu.memory_space<vmem>> -> memref<256xi32, #tpu.memory_space<vmem>>
    %dma_wait3A_39 = arith.constant 0 : i32
    %dma_wait3A_40 = arith.constant 0 : i32
    %dma_wait3A_41 = tpu.memref_slice %arg10[%dma_wait3A_39, %dma_wait3A_40] : memref<10240x32xf32, #tpu.memory_space<vmem_shared>> -> memref<10240x32xf32, #tpu.memory_space<vmem_shared>>
    tpu.wait_indirect_dma semaphore(%arg11 : memref<!tpu.dma_semaphore, #tpu.memory_space<semaphore_mem>>) src(%dma_wait3A_41 : memref<10240x32xf32, #tpu.memory_space<vmem_shared>>) dst(%dma_wait3A_35 : memref<256x32xf32, #tpu.memory_space<vmem>>)
    %dma_start3A_42 = arith.constant 0 : i32
    %dma_start3A_43 = arith.constant 78 : i32
    %dma_start3A_44 = arith.constant 0 : i32
    %dma_start3A_45 = arith.constant 0 : i32
    %dma_start3A_46 = tpu.memref_slice %arg8[%dma_start3A_42, %dma_start3A_44, %dma_start3A_45] : memref<2x256x32xf32, #tpu.memory_space<vmem>> -> memref<1x256x32xf32, #tpu.memory_space<vmem>>
    %dma_start3A_47 = tpu.memref_squeeze %dma_start3A_46 : memref<1x256x32xf32, #tpu.memory_space<vmem>> -> memref<256x32xf32, #tpu.memory_space<vmem>>
    %dma_start3A_48 = arith.constant 0 : i32
    %dma_start3A_49 = tpu.memref_slice %arg7[%dma_start3A_43, %dma_start3A_48] : memref<80x256xi32, #tpu.memory_space<vmem>> -> memref<1x256xi32, #tpu.memory_space<vmem>>
    %dma_start3A_50 = tpu.memref_squeeze %dma_start3A_49 : memref<1x256xi32, #tpu.memory_space<vmem>> -> memref<256xi32, #tpu.memory_space<vmem>>
    %dma_start3A_51 = arith.constant 0 : i32
    %dma_start3A_52 = arith.constant 0 : i32
    %dma_start3A_53 = tpu.memref_slice %arg9[%dma_start3A_51, %dma_start3A_52] : memref<10240x32xf32, #tpu.memory_space<vmem_shared>> -> memref<10240x32xf32, #tpu.memory_space<vmem_shared>>
    tpu.enqueue_indirect_dma source(%dma_start3A_47 : memref<256x32xf32, #tpu.memory_space<vmem>>) target(%dma_start3A_53 : memref<10240x32xf32, #tpu.memory_space<vmem_shared>>) offsets(%dma_start3A_50 : memref<256xi32, #tpu.memory_space<vmem>>) semaphore(%arg13 : memref<!tpu.dma_semaphore, #tpu.memory_space<semaphore_mem>>) {add = true}
    %dma_wait3A_54 = arith.constant 0 : i32
    %dma_wait3A_55 = arith.constant 1 : i32
    %dma_wait3A_56 = arith.constant 0 : i32
    %dma_wait3A_57 = arith.constant 0 : i32
    %dma_wait3A_58 = tpu.memref_slice %arg8[%dma_wait3A_55, %dma_wait3A_56, %dma_wait3A_57] : memref<2x256x32xf32, #tpu.memory_space<vmem>> -> memref<1x256x32xf32, #tpu.memory_space<vmem>>
    %dma_wait3A_59 = tpu.memref_squeeze %dma_wait3A_58 : memref<1x256x32xf32, #tpu.memory_space<vmem>> -> memref<256x32xf32, #tpu.memory_space<vmem>>
    %dma_wait3A_60 = arith.constant 0 : i32
    %dma_wait3A_61 = tpu.memref_slice %arg6[%dma_wait3A_54, %dma_wait3A_60] : memref<80x256xi32, #tpu.memory_space<vmem>> -> memref<1x256xi32, #tpu.memory_space<vmem>>
    %dma_wait3A_62 = tpu.memref_squeeze %dma_wait3A_61 : memref<1x256xi32, #tpu.memory_space<vmem>> -> memref<256xi32, #tpu.memory_space<vmem>>
    %dma_wait3A_63 = arith.constant 0 : i32
    %dma_wait3A_64 = arith.constant 0 : i32
    %dma_wait3A_65 = tpu.memref_slice %arg10[%dma_wait3A_63, %dma_wait3A_64] : memref<10240x32xf32, #tpu.memory_space<vmem_shared>> -> memref<10240x32xf32, #tpu.memory_space<vmem_shared>>
    tpu.wait_indirect_dma semaphore(%arg12 : memref<!tpu.dma_semaphore, #tpu.memory_space<semaphore_mem>>) src(%dma_wait3A_65 : memref<10240x32xf32, #tpu.memory_space<vmem_shared>>) dst(%dma_wait3A_59 : memref<256x32xf32, #tpu.memory_space<vmem>>)
    %dma_start3A_66 = arith.constant 1 : i32
    %dma_start3A_67 = arith.constant 79 : i32
    %dma_start3A_68 = arith.constant 0 : i32
    %dma_start3A_69 = arith.constant 0 : i32
    %dma_start3A_70 = tpu.memref_slice %arg8[%dma_start3A_66, %dma_start3A_68, %dma_start3A_69] : memref<2x256x32xf32, #tpu.memory_space<vmem>> -> memref<1x256x32xf32, #tpu.memory_space<vmem>>
    %dma_start3A_71 = tpu.memref_squeeze %dma_start3A_70 : memref<1x256x32xf32, #tpu.memory_space<vmem>> -> memref<256x32xf32, #tpu.memory_space<vmem>>
    %dma_start3A_72 = arith.constant 0 : i32
    %dma_start3A_73 = tpu.memref_slice %arg7[%dma_start3A_67, %dma_start3A_72] : memref<80x256xi32, #tpu.memory_space<vmem>> -> memref<1x256xi32, #tpu.memory_space<vmem>>
    %dma_start3A_74 = tpu.memref_squeeze %dma_start3A_73 : memref<1x256xi32, #tpu.memory_space<vmem>> -> memref<256xi32, #tpu.memory_space<vmem>>
    %dma_start3A_75 = arith.constant 0 : i32
    %dma_start3A_76 = arith.constant 0 : i32
    %dma_start3A_77 = tpu.memref_slice %arg9[%dma_start3A_75, %dma_start3A_76] : memref<10240x32xf32, #tpu.memory_space<vmem_shared>> -> memref<10240x32xf32, #tpu.memory_space<vmem_shared>>
    tpu.enqueue_indirect_dma source(%dma_start3A_71 : memref<256x32xf32, #tpu.memory_space<vmem>>) target(%dma_start3A_77 : memref<10240x32xf32, #tpu.memory_space<vmem_shared>>) offsets(%dma_start3A_74 : memref<256xi32, #tpu.memory_space<vmem>>) semaphore(%arg14 : memref<!tpu.dma_semaphore, #tpu.memory_space<semaphore_mem>>) {add = true}
    %dma_wait3A_78 = arith.constant 0 : i32
    %dma_wait3A_79 = arith.constant 0 : i32
    %dma_wait3A_80 = arith.constant 0 : i32
    %dma_wait3A_81 = arith.constant 0 : i32
    %dma_wait3A_82 = tpu.memref_slice %arg8[%dma_wait3A_78, %dma_wait3A_80, %dma_wait3A_81] : memref<2x256x32xf32, #tpu.memory_space<vmem>> -> memref<1x256x32xf32, #tpu.memory_space<vmem>>
    %dma_wait3A_83 = tpu.memref_squeeze %dma_wait3A_82 : memref<1x256x32xf32, #tpu.memory_space<vmem>> -> memref<256x32xf32, #tpu.memory_space<vmem>>
    %dma_wait3A_84 = arith.constant 0 : i32
    %dma_wait3A_85 = tpu.memref_slice %arg7[%dma_wait3A_79, %dma_wait3A_84] : memref<80x256xi32, #tpu.memory_space<vmem>> -> memref<1x256xi32, #tpu.memory_space<vmem>>
    %dma_wait3A_86 = tpu.memref_squeeze %dma_wait3A_85 : memref<1x256xi32, #tpu.memory_space<vmem>> -> memref<256xi32, #tpu.memory_space<vmem>>
    %dma_wait3A_87 = arith.constant 0 : i32
    %dma_wait3A_88 = arith.constant 0 : i32
    %dma_wait3A_89 = tpu.memref_slice %arg9[%dma_wait3A_87, %dma_wait3A_88] : memref<10240x32xf32, #tpu.memory_space<vmem_shared>> -> memref<10240x32xf32, #tpu.memory_space<vmem_shared>>
    tpu.wait_indirect_dma semaphore(%arg13 : memref<!tpu.dma_semaphore, #tpu.memory_space<semaphore_mem>>) src(%dma_wait3A_83 : memref<256x32xf32, #tpu.memory_space<vmem>>) dst(%dma_wait3A_89 : memref<10240x32xf32, #tpu.memory_space<vmem_shared>>)
    %dma_wait3A_90 = arith.constant 1 : i32
    %dma_wait3A_91 = arith.constant 0 : i32
    %dma_wait3A_92 = arith.constant 0 : i32
    %dma_wait3A_93 = arith.constant 0 : i32
    %dma_wait3A_94 = tpu.memref_slice %arg8[%dma_wait3A_90, %dma_wait3A_92, %dma_wait3A_93] : memref<2x256x32xf32, #tpu.memory_space<vmem>> -> memref<1x256x32xf32, #tpu.memory_space<vmem>>
    %dma_wait3A_95 = tpu.memref_squeeze %dma_wait3A_94 : memref<1x256x32xf32, #tpu.memory_space<vmem>> -> memref<256x32xf32, #tpu.memory_space<vmem>>
    %dma_wait3A_96 = arith.constant 0 : i32
    %dma_wait3A_97 = tpu.memref_slice %arg7[%dma_wait3A_91, %dma_wait3A_96] : memref<80x256xi32, #tpu.memory_space<vmem>> -> memref<1x256xi32, #tpu.memory_space<vmem>>
    %dma_wait3A_98 = tpu.memref_squeeze %dma_wait3A_97 : memref<1x256xi32, #tpu.memory_space<vmem>> -> memref<256xi32, #tpu.memory_space<vmem>>
    %dma_wait3A_99 = arith.constant 0 : i32
    %dma_wait3A_100 = arith.constant 0 : i32
    %dma_wait3A_101 = tpu.memref_slice %arg9[%dma_wait3A_99, %dma_wait3A_100] : memref<10240x32xf32, #tpu.memory_space<vmem_shared>> -> memref<10240x32xf32, #tpu.memory_space<vmem_shared>>
    tpu.wait_indirect_dma semaphore(%arg14 : memref<!tpu.dma_semaphore, #tpu.memory_space<semaphore_mem>>) src(%dma_wait3A_95 : memref<256x32xf32, #tpu.memory_space<vmem>>) dst(%dma_wait3A_101 : memref<10240x32xf32, #tpu.memory_space<vmem_shared>>)
    %barrier3A_102 = arith.constant 0 : index
    tpu.barrier barrier_id(%barrier3A_102)
    %mul3A_103 = arith.constant 2 : i32
    %mul3A_104 = arith.muli %mul3A_103, %arg0 : i32
    %add3A_105 = arith.constant 0 : i32
    %add3A_106 = arith.addi %mul3A_104, %add3A_105 : i32
    "tpu.region"() ({
      %run_scoped3A = tpu.sem_alloc : memref<!tpu.dma_semaphore, #tpu.memory_space<semaphore_mem>>
      %dma_start3A_220 = arith.constant 0 : i32
      %dma_start3A_221 = arith.constant 0 : i32
      %dma_start3A_222 = tpu.memref_slice %arg5[%add3A_106, %dma_start3A_220, %dma_start3A_221] : memref<4x10240x32xf32, #tpu.memory_space<hbm>> -> memref<1x10240x32xf32, #tpu.memory_space<hbm>>
      %dma_start3A_223 = tpu.memref_squeeze %dma_start3A_222 : memref<1x10240x32xf32, #tpu.memory_space<hbm>> -> memref<10240x32xf32, #tpu.memory_space<hbm>>
      %dma_start3A_224 = arith.constant 0 : i32
      %dma_start3A_225 = tpu.memref_slice %dma_start3A_223[%mul3A_0, %dma_start3A_224] : memref<10240x32xf32, #tpu.memory_space<hbm>> -> memref<640x32xf32, #tpu.memory_space<hbm>>
      %dma_start3A_226 = arith.constant 0 : i32
      %dma_start3A_227 = tpu.memref_slice %arg9[%mul3A_0, %dma_start3A_226] : memref<10240x32xf32, #tpu.memory_space<vmem_shared>> -> memref<640x32xf32, #tpu.memory_space<vmem_shared>>
      tpu.enqueue_dma source(%dma_start3A_227 : memref<640x32xf32, #tpu.memory_space<vmem_shared>>) target(%dma_start3A_225 : memref<640x32xf32, #tpu.memory_space<hbm>>) target_semaphore(%run_scoped3A : memref<!tpu.dma_semaphore, #tpu.memory_space<semaphore_mem>>)
      %dma_wait3A_228 = arith.constant 0 : i32
      %dma_wait3A_229 = arith.constant 0 : i32
      %dma_wait3A_230 = tpu.memref_slice %arg5[%add3A_106, %dma_wait3A_228, %dma_wait3A_229] : memref<4x10240x32xf32, #tpu.memory_space<hbm>> -> memref<1x10240x32xf32, #tpu.memory_space<hbm>>
      %dma_wait3A_231 = tpu.memref_squeeze %dma_wait3A_230 : memref<1x10240x32xf32, #tpu.memory_space<hbm>> -> memref<10240x32xf32, #tpu.memory_space<hbm>>
      %dma_wait3A_232 = arith.constant 0 : i32
      %dma_wait3A_233 = tpu.memref_slice %dma_wait3A_231[%mul3A_0, %dma_wait3A_232] : memref<10240x32xf32, #tpu.memory_space<hbm>> -> memref<640x32xf32, #tpu.memory_space<hbm>>
      %dma_wait3A_234 = arith.constant 0 : i32
      %dma_wait3A_235 = tpu.memref_slice %arg9[%mul3A_0, %dma_wait3A_234] : memref<10240x32xf32, #tpu.memory_space<vmem_shared>> -> memref<640x32xf32, #tpu.memory_space<vmem_shared>>
      tpu.wait_dma2 semaphore(%run_scoped3A : memref<!tpu.dma_semaphore, #tpu.memory_space<semaphore_mem>>) src(%dma_wait3A_235 : memref<640x32xf32, #tpu.memory_space<vmem_shared>>) dst(%dma_wait3A_233 : memref<640x32xf32, #tpu.memory_space<hbm>>)
      tpu.yield
    }) : () -> ()
    %barrier3A_107 = arith.constant 0 : index
    tpu.barrier barrier_id(%barrier3A_107)
    %mul3A_108 = arith.constant 2 : i32
    %mul3A_109 = arith.muli %mul3A_108, %arg0 : i32
    %add3A_110 = arith.constant 1 : i32
    %add3A_111 = arith.addi %mul3A_109, %add3A_110 : i32
    "tpu.region"() ({
      %run_scoped3A = tpu.sem_alloc : memref<!tpu.dma_semaphore, #tpu.memory_space<semaphore_mem>>
      %dma_start3A_220 = arith.constant 0 : i32
      %dma_start3A_221 = tpu.memref_slice %arg9[%mul3A_0, %dma_start3A_220] : memref<10240x32xf32, #tpu.memory_space<vmem_shared>> -> memref<640x32xf32, #tpu.memory_space<vmem_shared>>
      %dma_start3A_222 = arith.constant 0 : i32
      %dma_start3A_223 = arith.constant 0 : i32
      %dma_start3A_224 = tpu.memref_slice %arg2[%add3A_111, %dma_start3A_222, %dma_start3A_223] : memref<4x10240x32xf32, #tpu.memory_space<hbm>> -> memref<1x10240x32xf32, #tpu.memory_space<hbm>>
      %dma_start3A_225 = tpu.memref_squeeze %dma_start3A_224 : memref<1x10240x32xf32, #tpu.memory_space<hbm>> -> memref<10240x32xf32, #tpu.memory_space<hbm>>
      %dma_start3A_226 = arith.constant 0 : i32
      %dma_start3A_227 = tpu.memref_slice %dma_start3A_225[%mul3A_0, %dma_start3A_226] : memref<10240x32xf32, #tpu.memory_space<hbm>> -> memref<640x32xf32, #tpu.memory_space<hbm>>
      tpu.enqueue_dma source(%dma_start3A_227 : memref<640x32xf32, #tpu.memory_space<hbm>>) target(%dma_start3A_221 : memref<640x32xf32, #tpu.memory_space<vmem_shared>>) target_semaphore(%run_scoped3A : memref<!tpu.dma_semaphore, #tpu.memory_space<semaphore_mem>>)
      %dma_wait3A_228 = arith.constant 0 : i32
      %dma_wait3A_229 = tpu.memref_slice %arg9[%mul3A_0, %dma_wait3A_228] : memref<10240x32xf32, #tpu.memory_space<vmem_shared>> -> memref<640x32xf32, #tpu.memory_space<vmem_shared>>
      %dma_wait3A_230 = arith.constant 0 : i32
      %dma_wait3A_231 = arith.constant 0 : i32
      %dma_wait3A_232 = tpu.memref_slice %arg2[%add3A_111, %dma_wait3A_230, %dma_wait3A_231] : memref<4x10240x32xf32, #tpu.memory_space<hbm>> -> memref<1x10240x32xf32, #tpu.memory_space<hbm>>
      %dma_wait3A_233 = tpu.memref_squeeze %dma_wait3A_232 : memref<1x10240x32xf32, #tpu.memory_space<hbm>> -> memref<10240x32xf32, #tpu.memory_space<hbm>>
      %dma_wait3A_234 = arith.constant 0 : i32
      %dma_wait3A_235 = tpu.memref_slice %dma_wait3A_233[%mul3A_0, %dma_wait3A_234] : memref<10240x32xf32, #tpu.memory_space<hbm>> -> memref<640x32xf32, #tpu.memory_space<hbm>>
      tpu.wait_dma2 semaphore(%run_scoped3A : memref<!tpu.dma_semaphore, #tpu.memory_space<semaphore_mem>>) src(%dma_wait3A_235 : memref<640x32xf32, #tpu.memory_space<hbm>>) dst(%dma_wait3A_229 : memref<640x32xf32, #tpu.memory_space<vmem_shared>>)
      tpu.yield
    }) : () -> ()
    "tpu.region"() ({
      %run_scoped3A = tpu.sem_alloc : memref<!tpu.dma_semaphore, #tpu.memory_space<semaphore_mem>>
      %dma_start3A_220 = arith.constant 0 : i32
      %dma_start3A_221 = tpu.memref_slice %arg10[%mul3A_0, %dma_start3A_220] : memref<10240x32xf32, #tpu.memory_space<vmem_shared>> -> memref<640x32xf32, #tpu.memory_space<vmem_shared>>
      %dma_start3A_222 = arith.constant 0 : i32
      %dma_start3A_223 = arith.constant 0 : i32
      %dma_start3A_224 = tpu.memref_slice %arg2[%add3A_111, %dma_start3A_222, %dma_start3A_223] : memref<4x10240x32xf32, #tpu.memory_space<hbm>> -> memref<1x10240x32xf32, #tpu.memory_space<hbm>>
      %dma_start3A_225 = tpu.memref_squeeze %dma_start3A_224 : memref<1x10240x32xf32, #tpu.memory_space<hbm>> -> memref<10240x32xf32, #tpu.memory_space<hbm>>
      %dma_start3A_226 = arith.constant 0 : i32
      %dma_start3A_227 = tpu.memref_slice %dma_start3A_225[%mul3A_0, %dma_start3A_226] : memref<10240x32xf32, #tpu.memory_space<hbm>> -> memref<640x32xf32, #tpu.memory_space<hbm>>
      tpu.enqueue_dma source(%dma_start3A_227 : memref<640x32xf32, #tpu.memory_space<hbm>>) target(%dma_start3A_221 : memref<640x32xf32, #tpu.memory_space<vmem_shared>>) target_semaphore(%run_scoped3A : memref<!tpu.dma_semaphore, #tpu.memory_space<semaphore_mem>>)
      %dma_wait3A_228 = arith.constant 0 : i32
      %dma_wait3A_229 = tpu.memref_slice %arg10[%mul3A_0, %dma_wait3A_228] : memref<10240x32xf32, #tpu.memory_space<vmem_shared>> -> memref<640x32xf32, #tpu.memory_space<vmem_shared>>
      %dma_wait3A_230 = arith.constant 0 : i32
      %dma_wait3A_231 = arith.constant 0 : i32
      %dma_wait3A_232 = tpu.memref_slice %arg2[%add3A_111, %dma_wait3A_230, %dma_wait3A_231] : memref<4x10240x32xf32, #tpu.memory_space<hbm>> -> memref<1x10240x32xf32, #tpu.memory_space<hbm>>
      %dma_wait3A_233 = tpu.memref_squeeze %dma_wait3A_232 : memref<1x10240x32xf32, #tpu.memory_space<hbm>> -> memref<10240x32xf32, #tpu.memory_space<hbm>>
      %dma_wait3A_234 = arith.constant 0 : i32
      %dma_wait3A_235 = tpu.memref_slice %dma_wait3A_233[%mul3A_0, %dma_wait3A_234] : memref<10240x32xf32, #tpu.memory_space<hbm>> -> memref<640x32xf32, #tpu.memory_space<hbm>>
      tpu.wait_dma2 semaphore(%run_scoped3A : memref<!tpu.dma_semaphore, #tpu.memory_space<semaphore_mem>>) src(%dma_wait3A_235 : memref<640x32xf32, #tpu.memory_space<hbm>>) dst(%dma_wait3A_229 : memref<640x32xf32, #tpu.memory_space<vmem_shared>>)
      tpu.yield
    }) : () -> ()
    %barrier3A_112 = arith.constant 0 : index
    tpu.barrier barrier_id(%barrier3A_112)
    %dma_start3A_113 = arith.constant 0 : i32
    %dma_start3A_114 = arith.constant 0 : i32
    %dma_start3A_115 = arith.constant 0 : i32
    %dma_start3A_116 = arith.constant 0 : i32
    %dma_start3A_117 = tpu.memref_slice %arg8[%dma_start3A_114, %dma_start3A_115, %dma_start3A_116] : memref<2x256x32xf32, #tpu.memory_space<vmem>> -> memref<1x256x32xf32, #tpu.memory_space<vmem>>
    %dma_start3A_118 = tpu.memref_squeeze %dma_start3A_117 : memref<1x256x32xf32, #tpu.memory_space<vmem>> -> memref<256x32xf32, #tpu.memory_space<vmem>>
    %dma_start3A_119 = arith.constant 0 : i32
    %dma_start3A_120 = tpu.memref_slice %arg6[%dma_start3A_113, %dma_start3A_119] : memref<80x256xi32, #tpu.memory_space<vmem>> -> memref<1x256xi32, #tpu.memory_space<vmem>>
    %dma_start3A_121 = tpu.memref_squeeze %dma_start3A_120 : memref<1x256xi32, #tpu.memory_space<vmem>> -> memref<256xi32, #tpu.memory_space<vmem>>
    %dma_start3A_122 = arith.constant 0 : i32
    %dma_start3A_123 = arith.constant 0 : i32
    %dma_start3A_124 = tpu.memref_slice %arg10[%dma_start3A_122, %dma_start3A_123] : memref<10240x32xf32, #tpu.memory_space<vmem_shared>> -> memref<10240x32xf32, #tpu.memory_space<vmem_shared>>
    tpu.enqueue_indirect_dma source(%dma_start3A_124 : memref<10240x32xf32, #tpu.memory_space<vmem_shared>>) target(%dma_start3A_118 : memref<256x32xf32, #tpu.memory_space<vmem>>) offsets(%dma_start3A_121 : memref<256xi32, #tpu.memory_space<vmem>>) semaphore(%arg11 : memref<!tpu.dma_semaphore, #tpu.memory_space<semaphore_mem>>)
    %dma_start3A_125 = arith.constant 1 : i32
    %dma_start3A_126 = arith.constant 1 : i32
    %dma_start3A_127 = arith.constant 0 : i32
    %dma_start3A_128 = arith.constant 0 : i32
    %dma_start3A_129 = tpu.memref_slice %arg8[%dma_start3A_126, %dma_start3A_127, %dma_start3A_128] : memref<2x256x32xf32, #tpu.memory_space<vmem>> -> memref<1x256x32xf32, #tpu.memory_space<vmem>>
    %dma_start3A_130 = tpu.memref_squeeze %dma_start3A_129 : memref<1x256x32xf32, #tpu.memory_space<vmem>> -> memref<256x32xf32, #tpu.memory_space<vmem>>
    %dma_start3A_131 = arith.constant 0 : i32
    %dma_start3A_132 = tpu.memref_slice %arg6[%dma_start3A_125, %dma_start3A_131] : memref<80x256xi32, #tpu.memory_space<vmem>> -> memref<1x256xi32, #tpu.memory_space<vmem>>
    %dma_start3A_133 = tpu.memref_squeeze %dma_start3A_132 : memref<1x256xi32, #tpu.memory_space<vmem>> -> memref<256xi32, #tpu.memory_space<vmem>>
    %dma_start3A_134 = arith.constant 0 : i32
    %dma_start3A_135 = arith.constant 0 : i32
    %dma_start3A_136 = tpu.memref_slice %arg10[%dma_start3A_134, %dma_start3A_135] : memref<10240x32xf32, #tpu.memory_space<vmem_shared>> -> memref<10240x32xf32, #tpu.memory_space<vmem_shared>>
    tpu.enqueue_indirect_dma source(%dma_start3A_136 : memref<10240x32xf32, #tpu.memory_space<vmem_shared>>) target(%dma_start3A_130 : memref<256x32xf32, #tpu.memory_space<vmem>>) offsets(%dma_start3A_133 : memref<256xi32, #tpu.memory_space<vmem>>) semaphore(%arg12 : memref<!tpu.dma_semaphore, #tpu.memory_space<semaphore_mem>>)
    %scan3A_137 = arith.constant 0 : i32
    %scan3A_138 = arith.constant 39 : i32
    %scan3A_139 = arith.addi %scan3A_137, %scan3A_138 : i32
    %scan3A_140 = arith.constant 1 : i32
    scf.for %scan3A_220 = %scan3A_137 to %scan3A_139 step %scan3A_140  : i32 {
      %mul3A_221 = arith.constant 2 : i32
      %mul3A_222 = arith.muli %scan3A_220, %mul3A_221 : i32
      %add3A_223 = arith.constant 0 : i32
      %add3A_224 = arith.addi %add3A_223, %mul3A_222 : i32
      %dma_wait3A_225 = arith.constant 0 : i32
      %dma_wait3A_226 = arith.constant 0 : i32
      %dma_wait3A_227 = arith.constant 0 : i32
      %dma_wait3A_228 = arith.constant 0 : i32
      %dma_wait3A_229 = tpu.memref_slice %arg8[%dma_wait3A_226, %dma_wait3A_227, %dma_wait3A_228] : memref<2x256x32xf32, #tpu.memory_space<vmem>> -> memref<1x256x32xf32, #tpu.memory_space<vmem>>
      %dma_wait3A_230 = tpu.memref_squeeze %dma_wait3A_229 : memref<1x256x32xf32, #tpu.memory_space<vmem>> -> memref<256x32xf32, #tpu.memory_space<vmem>>
      %dma_wait3A_231 = arith.constant 0 : i32
      %dma_wait3A_232 = tpu.memref_slice %arg6[%dma_wait3A_225, %dma_wait3A_231] : memref<80x256xi32, #tpu.memory_space<vmem>> -> memref<1x256xi32, #tpu.memory_space<vmem>>
      %dma_wait3A_233 = tpu.memref_squeeze %dma_wait3A_232 : memref<1x256xi32, #tpu.memory_space<vmem>> -> memref<256xi32, #tpu.memory_space<vmem>>
      %dma_wait3A_234 = arith.constant 0 : i32
      %dma_wait3A_235 = arith.constant 0 : i32
      %dma_wait3A_236 = tpu.memref_slice %arg10[%dma_wait3A_234, %dma_wait3A_235] : memref<10240x32xf32, #tpu.memory_space<vmem_shared>> -> memref<10240x32xf32, #tpu.memory_space<vmem_shared>>
      tpu.wait_indirect_dma semaphore(%arg11 : memref<!tpu.dma_semaphore, #tpu.memory_space<semaphore_mem>>) src(%dma_wait3A_236 : memref<10240x32xf32, #tpu.memory_space<vmem_shared>>) dst(%dma_wait3A_230 : memref<256x32xf32, #tpu.memory_space<vmem>>)
      %add3A_237 = arith.constant 0 : i32
      %add3A_238 = arith.addi %add3A_224, %add3A_237 : i32
      %dma_start3A_239 = arith.constant 0 : i32
      %dma_start3A_240 = arith.constant 0 : i32
      %dma_start3A_241 = arith.constant 0 : i32
      %dma_start3A_242 = tpu.memref_slice %arg8[%dma_start3A_239, %dma_start3A_240, %dma_start3A_241] : memref<2x256x32xf32, #tpu.memory_space<vmem>> -> memref<1x256x32xf32, #tpu.memory_space<vmem>>
      %dma_start3A_243 = tpu.memref_squeeze %dma_start3A_242 : memref<1x256x32xf32, #tpu.memory_space<vmem>> -> memref<256x32xf32, #tpu.memory_space<vmem>>
      %dma_start3A_244 = arith.constant 0 : i32
      %dma_start3A_245 = tpu.memref_slice %arg7[%add3A_238, %dma_start3A_244] : memref<80x256xi32, #tpu.memory_space<vmem>> -> memref<1x256xi32, #tpu.memory_space<vmem>>
      %dma_start3A_246 = tpu.memref_squeeze %dma_start3A_245 : memref<1x256xi32, #tpu.memory_space<vmem>> -> memref<256xi32, #tpu.memory_space<vmem>>
      %dma_start3A_247 = arith.constant 0 : i32
      %dma_start3A_248 = arith.constant 0 : i32
      %dma_start3A_249 = tpu.memref_slice %arg9[%dma_start3A_247, %dma_start3A_248] : memref<10240x32xf32, #tpu.memory_space<vmem_shared>> -> memref<10240x32xf32, #tpu.memory_space<vmem_shared>>
      tpu.enqueue_indirect_dma source(%dma_start3A_243 : memref<256x32xf32, #tpu.memory_space<vmem>>) target(%dma_start3A_249 : memref<10240x32xf32, #tpu.memory_space<vmem_shared>>) offsets(%dma_start3A_246 : memref<256xi32, #tpu.memory_space<vmem>>) semaphore(%arg13 : memref<!tpu.dma_semaphore, #tpu.memory_space<semaphore_mem>>) {add = true}
      %dma_wait3A_250 = arith.constant 0 : i32
      %dma_wait3A_251 = arith.constant 1 : i32
      %dma_wait3A_252 = arith.constant 0 : i32
      %dma_wait3A_253 = arith.constant 0 : i32
      %dma_wait3A_254 = tpu.memref_slice %arg8[%dma_wait3A_251, %dma_wait3A_252, %dma_wait3A_253] : memref<2x256x32xf32, #tpu.memory_space<vmem>> -> memref<1x256x32xf32, #tpu.memory_space<vmem>>
      %dma_wait3A_255 = tpu.memref_squeeze %dma_wait3A_254 : memref<1x256x32xf32, #tpu.memory_space<vmem>> -> memref<256x32xf32, #tpu.memory_space<vmem>>
      %dma_wait3A_256 = arith.constant 0 : i32
      %dma_wait3A_257 = tpu.memref_slice %arg6[%dma_wait3A_250, %dma_wait3A_256] : memref<80x256xi32, #tpu.memory_space<vmem>> -> memref<1x256xi32, #tpu.memory_space<vmem>>
      %dma_wait3A_258 = tpu.memref_squeeze %dma_wait3A_257 : memref<1x256xi32, #tpu.memory_space<vmem>> -> memref<256xi32, #tpu.memory_space<vmem>>
      %dma_wait3A_259 = arith.constant 0 : i32
      %dma_wait3A_260 = arith.constant 0 : i32
      %dma_wait3A_261 = tpu.memref_slice %arg10[%dma_wait3A_259, %dma_wait3A_260] : memref<10240x32xf32, #tpu.memory_space<vmem_shared>> -> memref<10240x32xf32, #tpu.memory_space<vmem_shared>>
      tpu.wait_indirect_dma semaphore(%arg12 : memref<!tpu.dma_semaphore, #tpu.memory_space<semaphore_mem>>) src(%dma_wait3A_261 : memref<10240x32xf32, #tpu.memory_space<vmem_shared>>) dst(%dma_wait3A_255 : memref<256x32xf32, #tpu.memory_space<vmem>>)
      %add3A_262 = arith.constant 1 : i32
      %add3A_263 = arith.addi %add3A_224, %add3A_262 : i32
      %dma_start3A_264 = arith.constant 1 : i32
      %dma_start3A_265 = arith.constant 0 : i32
      %dma_start3A_266 = arith.constant 0 : i32
      %dma_start3A_267 = tpu.memref_slice %arg8[%dma_start3A_264, %dma_start3A_265, %dma_start3A_266] : memref<2x256x32xf32, #tpu.memory_space<vmem>> -> memref<1x256x32xf32, #tpu.memory_space<vmem>>
      %dma_start3A_268 = tpu.memref_squeeze %dma_start3A_267 : memref<1x256x32xf32, #tpu.memory_space<vmem>> -> memref<256x32xf32, #tpu.memory_space<vmem>>
      %dma_start3A_269 = arith.constant 0 : i32
      %dma_start3A_270 = tpu.memref_slice %arg7[%add3A_263, %dma_start3A_269] : memref<80x256xi32, #tpu.memory_space<vmem>> -> memref<1x256xi32, #tpu.memory_space<vmem>>
      %dma_start3A_271 = tpu.memref_squeeze %dma_start3A_270 : memref<1x256xi32, #tpu.memory_space<vmem>> -> memref<256xi32, #tpu.memory_space<vmem>>
      %dma_start3A_272 = arith.constant 0 : i32
      %dma_start3A_273 = arith.constant 0 : i32
      %dma_start3A_274 = tpu.memref_slice %arg9[%dma_start3A_272, %dma_start3A_273] : memref<10240x32xf32, #tpu.memory_space<vmem_shared>> -> memref<10240x32xf32, #tpu.memory_space<vmem_shared>>
      tpu.enqueue_indirect_dma source(%dma_start3A_268 : memref<256x32xf32, #tpu.memory_space<vmem>>) target(%dma_start3A_274 : memref<10240x32xf32, #tpu.memory_space<vmem_shared>>) offsets(%dma_start3A_271 : memref<256xi32, #tpu.memory_space<vmem>>) semaphore(%arg14 : memref<!tpu.dma_semaphore, #tpu.memory_space<semaphore_mem>>) {add = true}
      %dma_wait3A_275 = arith.constant 0 : i32
      %dma_wait3A_276 = arith.constant 0 : i32
      %dma_wait3A_277 = arith.constant 0 : i32
      %dma_wait3A_278 = arith.constant 0 : i32
      %dma_wait3A_279 = tpu.memref_slice %arg8[%dma_wait3A_275, %dma_wait3A_277, %dma_wait3A_278] : memref<2x256x32xf32, #tpu.memory_space<vmem>> -> memref<1x256x32xf32, #tpu.memory_space<vmem>>
      %dma_wait3A_280 = tpu.memref_squeeze %dma_wait3A_279 : memref<1x256x32xf32, #tpu.memory_space<vmem>> -> memref<256x32xf32, #tpu.memory_space<vmem>>
      %dma_wait3A_281 = arith.constant 0 : i32
      %dma_wait3A_282 = tpu.memref_slice %arg7[%dma_wait3A_276, %dma_wait3A_281] : memref<80x256xi32, #tpu.memory_space<vmem>> -> memref<1x256xi32, #tpu.memory_space<vmem>>
      %dma_wait3A_283 = tpu.memref_squeeze %dma_wait3A_282 : memref<1x256xi32, #tpu.memory_space<vmem>> -> memref<256xi32, #tpu.memory_space<vmem>>
      %dma_wait3A_284 = arith.constant 0 : i32
      %dma_wait3A_285 = arith.constant 0 : i32
      %dma_wait3A_286 = tpu.memref_slice %arg9[%dma_wait3A_284, %dma_wait3A_285] : memref<10240x32xf32, #tpu.memory_space<vmem_shared>> -> memref<10240x32xf32, #tpu.memory_space<vmem_shared>>
      tpu.wait_indirect_dma semaphore(%arg13 : memref<!tpu.dma_semaphore, #tpu.memory_space<semaphore_mem>>) src(%dma_wait3A_280 : memref<256x32xf32, #tpu.memory_space<vmem>>) dst(%dma_wait3A_286 : memref<10240x32xf32, #tpu.memory_space<vmem_shared>>)
      %add3A_287 = arith.constant 2 : i32
      %add3A_288 = arith.addi %add3A_224, %add3A_287 : i32
      %add3A_289 = arith.constant 0 : i32
      %add3A_290 = arith.addi %add3A_288, %add3A_289 : i32
      %dma_start3A_291 = arith.constant 0 : i32
      %dma_start3A_292 = arith.constant 0 : i32
      %dma_start3A_293 = arith.constant 0 : i32
      %dma_start3A_294 = tpu.memref_slice %arg8[%dma_start3A_291, %dma_start3A_292, %dma_start3A_293] : memref<2x256x32xf32, #tpu.memory_space<vmem>> -> memref<1x256x32xf32, #tpu.memory_space<vmem>>
      %dma_start3A_295 = tpu.memref_squeeze %dma_start3A_294 : memref<1x256x32xf32, #tpu.memory_space<vmem>> -> memref<256x32xf32, #tpu.memory_space<vmem>>
      %dma_start3A_296 = arith.constant 0 : i32
      %dma_start3A_297 = tpu.memref_slice %arg6[%add3A_290, %dma_start3A_296] : memref<80x256xi32, #tpu.memory_space<vmem>> -> memref<1x256xi32, #tpu.memory_space<vmem>>
      %dma_start3A_298 = tpu.memref_squeeze %dma_start3A_297 : memref<1x256xi32, #tpu.memory_space<vmem>> -> memref<256xi32, #tpu.memory_space<vmem>>
      %dma_start3A_299 = arith.constant 0 : i32
      %dma_start3A_300 = arith.constant 0 : i32
      %dma_start3A_301 = tpu.memref_slice %arg10[%dma_start3A_299, %dma_start3A_300] : memref<10240x32xf32, #tpu.memory_space<vmem_shared>> -> memref<10240x32xf32, #tpu.memory_space<vmem_shared>>
      tpu.enqueue_indirect_dma source(%dma_start3A_301 : memref<10240x32xf32, #tpu.memory_space<vmem_shared>>) target(%dma_start3A_295 : memref<256x32xf32, #tpu.memory_space<vmem>>) offsets(%dma_start3A_298 : memref<256xi32, #tpu.memory_space<vmem>>) semaphore(%arg11 : memref<!tpu.dma_semaphore, #tpu.memory_space<semaphore_mem>>)
      %dma_wait3A_302 = arith.constant 1 : i32
      %dma_wait3A_303 = arith.constant 0 : i32
      %dma_wait3A_304 = arith.constant 0 : i32
      %dma_wait3A_305 = arith.constant 0 : i32
      %dma_wait3A_306 = tpu.memref_slice %arg8[%dma_wait3A_302, %dma_wait3A_304, %dma_wait3A_305] : memref<2x256x32xf32, #tpu.memory_space<vmem>> -> memref<1x256x32xf32, #tpu.memory_space<vmem>>
      %dma_wait3A_307 = tpu.memref_squeeze %dma_wait3A_306 : memref<1x256x32xf32, #tpu.memory_space<vmem>> -> memref<256x32xf32, #tpu.memory_space<vmem>>
      %dma_wait3A_308 = arith.constant 0 : i32
      %dma_wait3A_309 = tpu.memref_slice %arg7[%dma_wait3A_303, %dma_wait3A_308] : memref<80x256xi32, #tpu.memory_space<vmem>> -> memref<1x256xi32, #tpu.memory_space<vmem>>
      %dma_wait3A_310 = tpu.memref_squeeze %dma_wait3A_309 : memref<1x256xi32, #tpu.memory_space<vmem>> -> memref<256xi32, #tpu.memory_space<vmem>>
      %dma_wait3A_311 = arith.constant 0 : i32
      %dma_wait3A_312 = arith.constant 0 : i32
      %dma_wait3A_313 = tpu.memref_slice %arg9[%dma_wait3A_311, %dma_wait3A_312] : memref<10240x32xf32, #tpu.memory_space<vmem_shared>> -> memref<10240x32xf32, #tpu.memory_space<vmem_shared>>
      tpu.wait_indirect_dma semaphore(%arg14 : memref<!tpu.dma_semaphore, #tpu.memory_space<semaphore_mem>>) src(%dma_wait3A_307 : memref<256x32xf32, #tpu.memory_space<vmem>>) dst(%dma_wait3A_313 : memref<10240x32xf32, #tpu.memory_space<vmem_shared>>)
      %add3A_314 = arith.constant 2 : i32
      %add3A_315 = arith.addi %add3A_224, %add3A_314 : i32
      %add3A_316 = arith.constant 1 : i32
      %add3A_317 = arith.addi %add3A_315, %add3A_316 : i32
      %dma_start3A_318 = arith.constant 1 : i32
      %dma_start3A_319 = arith.constant 0 : i32
      %dma_start3A_320 = arith.constant 0 : i32
      %dma_start3A_321 = tpu.memref_slice %arg8[%dma_start3A_318, %dma_start3A_319, %dma_start3A_320] : memref<2x256x32xf32, #tpu.memory_space<vmem>> -> memref<1x256x32xf32, #tpu.memory_space<vmem>>
      %dma_start3A_322 = tpu.memref_squeeze %dma_start3A_321 : memref<1x256x32xf32, #tpu.memory_space<vmem>> -> memref<256x32xf32, #tpu.memory_space<vmem>>
      %dma_start3A_323 = arith.constant 0 : i32
      %dma_start3A_324 = tpu.memref_slice %arg6[%add3A_317, %dma_start3A_323] : memref<80x256xi32, #tpu.memory_space<vmem>> -> memref<1x256xi32, #tpu.memory_space<vmem>>
      %dma_start3A_325 = tpu.memref_squeeze %dma_start3A_324 : memref<1x256xi32, #tpu.memory_space<vmem>> -> memref<256xi32, #tpu.memory_space<vmem>>
      %dma_start3A_326 = arith.constant 0 : i32
      %dma_start3A_327 = arith.constant 0 : i32
      %dma_start3A_328 = tpu.memref_slice %arg10[%dma_start3A_326, %dma_start3A_327] : memref<10240x32xf32, #tpu.memory_space<vmem_shared>> -> memref<10240x32xf32, #tpu.memory_space<vmem_shared>>
      tpu.enqueue_indirect_dma source(%dma_start3A_328 : memref<10240x32xf32, #tpu.memory_space<vmem_shared>>) target(%dma_start3A_322 : memref<256x32xf32, #tpu.memory_space<vmem>>) offsets(%dma_start3A_325 : memref<256xi32, #tpu.memory_space<vmem>>) semaphore(%arg12 : memref<!tpu.dma_semaphore, #tpu.memory_space<semaphore_mem>>)
    }
    %scan3A_141 = arith.constant 39 : i32
    %dma_wait3A_142 = arith.constant 0 : i32
    %dma_wait3A_143 = arith.constant 0 : i32
    %dma_wait3A_144 = arith.constant 0 : i32
    %dma_wait3A_145 = arith.constant 0 : i32
    %dma_wait3A_146 = tpu.memref_slice %arg8[%dma_wait3A_143, %dma_wait3A_144, %dma_wait3A_145] : memref<2x256x32xf32, #tpu.memory_space<vmem>> -> memref<1x256x32xf32, #tpu.memory_space<vmem>>
    %dma_wait3A_147 = tpu.memref_squeeze %dma_wait3A_146 : memref<1x256x32xf32, #tpu.memory_space<vmem>> -> memref<256x32xf32, #tpu.memory_space<vmem>>
    %dma_wait3A_148 = arith.constant 0 : i32
    %dma_wait3A_149 = tpu.memref_slice %arg6[%dma_wait3A_142, %dma_wait3A_148] : memref<80x256xi32, #tpu.memory_space<vmem>> -> memref<1x256xi32, #tpu.memory_space<vmem>>
    %dma_wait3A_150 = tpu.memref_squeeze %dma_wait3A_149 : memref<1x256xi32, #tpu.memory_space<vmem>> -> memref<256xi32, #tpu.memory_space<vmem>>
    %dma_wait3A_151 = arith.constant 0 : i32
    %dma_wait3A_152 = arith.constant 0 : i32
    %dma_wait3A_153 = tpu.memref_slice %arg10[%dma_wait3A_151, %dma_wait3A_152] : memref<10240x32xf32, #tpu.memory_space<vmem_shared>> -> memref<10240x32xf32, #tpu.memory_space<vmem_shared>>
    tpu.wait_indirect_dma semaphore(%arg11 : memref<!tpu.dma_semaphore, #tpu.memory_space<semaphore_mem>>) src(%dma_wait3A_153 : memref<10240x32xf32, #tpu.memory_space<vmem_shared>>) dst(%dma_wait3A_147 : memref<256x32xf32, #tpu.memory_space<vmem>>)
    %dma_start3A_154 = arith.constant 0 : i32
    %dma_start3A_155 = arith.constant 78 : i32
    %dma_start3A_156 = arith.constant 0 : i32
    %dma_start3A_157 = arith.constant 0 : i32
    %dma_start3A_158 = tpu.memref_slice %arg8[%dma_start3A_154, %dma_start3A_156, %dma_start3A_157] : memref<2x256x32xf32, #tpu.memory_space<vmem>> -> memref<1x256x32xf32, #tpu.memory_space<vmem>>
    %dma_start3A_159 = tpu.memref_squeeze %dma_start3A_158 : memref<1x256x32xf32, #tpu.memory_space<vmem>> -> memref<256x32xf32, #tpu.memory_space<vmem>>
    %dma_start3A_160 = arith.constant 0 : i32
    %dma_start3A_161 = tpu.memref_slice %arg7[%dma_start3A_155, %dma_start3A_160] : memref<80x256xi32, #tpu.memory_space<vmem>> -> memref<1x256xi32, #tpu.memory_space<vmem>>
    %dma_start3A_162 = tpu.memref_squeeze %dma_start3A_161 : memref<1x256xi32, #tpu.memory_space<vmem>> -> memref<256xi32, #tpu.memory_space<vmem>>
    %dma_start3A_163 = arith.constant 0 : i32
    %dma_start3A_164 = arith.constant 0 : i32
    %dma_start3A_165 = tpu.memref_slice %arg9[%dma_start3A_163, %dma_start3A_164] : memref<10240x32xf32, #tpu.memory_space<vmem_shared>> -> memref<10240x32xf32, #tpu.memory_space<vmem_shared>>
    tpu.enqueue_indirect_dma source(%dma_start3A_159 : memref<256x32xf32, #tpu.memory_space<vmem>>) target(%dma_start3A_165 : memref<10240x32xf32, #tpu.memory_space<vmem_shared>>) offsets(%dma_start3A_162 : memref<256xi32, #tpu.memory_space<vmem>>) semaphore(%arg13 : memref<!tpu.dma_semaphore, #tpu.memory_space<semaphore_mem>>) {add = true}
    %dma_wait3A_166 = arith.constant 0 : i32
    %dma_wait3A_167 = arith.constant 1 : i32
    %dma_wait3A_168 = arith.constant 0 : i32
    %dma_wait3A_169 = arith.constant 0 : i32
    %dma_wait3A_170 = tpu.memref_slice %arg8[%dma_wait3A_167, %dma_wait3A_168, %dma_wait3A_169] : memref<2x256x32xf32, #tpu.memory_space<vmem>> -> memref<1x256x32xf32, #tpu.memory_space<vmem>>
    %dma_wait3A_171 = tpu.memref_squeeze %dma_wait3A_170 : memref<1x256x32xf32, #tpu.memory_space<vmem>> -> memref<256x32xf32, #tpu.memory_space<vmem>>
    %dma_wait3A_172 = arith.constant 0 : i32
    %dma_wait3A_173 = tpu.memref_slice %arg6[%dma_wait3A_166, %dma_wait3A_172] : memref<80x256xi32, #tpu.memory_space<vmem>> -> memref<1x256xi32, #tpu.memory_space<vmem>>
    %dma_wait3A_174 = tpu.memref_squeeze %dma_wait3A_173 : memref<1x256xi32, #tpu.memory_space<vmem>> -> memref<256xi32, #tpu.memory_space<vmem>>
    %dma_wait3A_175 = arith.constant 0 : i32
    %dma_wait3A_176 = arith.constant 0 : i32
    %dma_wait3A_177 = tpu.memref_slice %arg10[%dma_wait3A_175, %dma_wait3A_176] : memref<10240x32xf32, #tpu.memory_space<vmem_shared>> -> memref<10240x32xf32, #tpu.memory_space<vmem_shared>>
    tpu.wait_indirect_dma semaphore(%arg12 : memref<!tpu.dma_semaphore, #tpu.memory_space<semaphore_mem>>) src(%dma_wait3A_177 : memref<10240x32xf32, #tpu.memory_space<vmem_shared>>) dst(%dma_wait3A_171 : memref<256x32xf32, #tpu.memory_space<vmem>>)
    %dma_start3A_178 = arith.constant 1 : i32
    %dma_start3A_179 = arith.constant 79 : i32
    %dma_start3A_180 = arith.constant 0 : i32
    %dma_start3A_181 = arith.constant 0 : i32
    %dma_start3A_182 = tpu.memref_slice %arg8[%dma_start3A_178, %dma_start3A_180, %dma_start3A_181] : memref<2x256x32xf32, #tpu.memory_space<vmem>> -> memref<1x256x32xf32, #tpu.memory_space<vmem>>
    %dma_start3A_183 = tpu.memref_squeeze %dma_start3A_182 : memref<1x256x32xf32, #tpu.memory_space<vmem>> -> memref<256x32xf32, #tpu.memory_space<vmem>>
    %dma_start3A_184 = arith.constant 0 : i32
    %dma_start3A_185 = tpu.memref_slice %arg7[%dma_start3A_179, %dma_start3A_184] : memref<80x256xi32, #tpu.memory_space<vmem>> -> memref<1x256xi32, #tpu.memory_space<vmem>>
    %dma_start3A_186 = tpu.memref_squeeze %dma_start3A_185 : memref<1x256xi32, #tpu.memory_space<vmem>> -> memref<256xi32, #tpu.memory_space<vmem>>
    %dma_start3A_187 = arith.constant 0 : i32
    %dma_start3A_188 = arith.constant 0 : i32
    %dma_start3A_189 = tpu.memref_slice %arg9[%dma_start3A_187, %dma_start3A_188] : memref<10240x32xf32, #tpu.memory_space<vmem_shared>> -> memref<10240x32xf32, #tpu.memory_space<vmem_shared>>
    tpu.enqueue_indirect_dma source(%dma_start3A_183 : memref<256x32xf32, #tpu.memory_space<vmem>>) target(%dma_start3A_189 : memref<10240x32xf32, #tpu.memory_space<vmem_shared>>) offsets(%dma_start3A_186 : memref<256xi32, #tpu.memory_space<vmem>>) semaphore(%arg14 : memref<!tpu.dma_semaphore, #tpu.memory_space<semaphore_mem>>) {add = true}
    %dma_wait3A_190 = arith.constant 0 : i32
    %dma_wait3A_191 = arith.constant 0 : i32
    %dma_wait3A_192 = arith.constant 0 : i32
    %dma_wait3A_193 = arith.constant 0 : i32
    %dma_wait3A_194 = tpu.memref_slice %arg8[%dma_wait3A_190, %dma_wait3A_192, %dma_wait3A_193] : memref<2x256x32xf32, #tpu.memory_space<vmem>> -> memref<1x256x32xf32, #tpu.memory_space<vmem>>
    %dma_wait3A_195 = tpu.memref_squeeze %dma_wait3A_194 : memref<1x256x32xf32, #tpu.memory_space<vmem>> -> memref<256x32xf32, #tpu.memory_space<vmem>>
    %dma_wait3A_196 = arith.constant 0 : i32
    %dma_wait3A_197 = tpu.memref_slice %arg7[%dma_wait3A_191, %dma_wait3A_196] : memref<80x256xi32, #tpu.memory_space<vmem>> -> memref<1x256xi32, #tpu.memory_space<vmem>>
    %dma_wait3A_198 = tpu.memref_squeeze %dma_wait3A_197 : memref<1x256xi32, #tpu.memory_space<vmem>> -> memref<256xi32, #tpu.memory_space<vmem>>
    %dma_wait3A_199 = arith.constant 0 : i32
    %dma_wait3A_200 = arith.constant 0 : i32
    %dma_wait3A_201 = tpu.memref_slice %arg9[%dma_wait3A_199, %dma_wait3A_200] : memref<10240x32xf32, #tpu.memory_space<vmem_shared>> -> memref<10240x32xf32, #tpu.memory_space<vmem_shared>>
    tpu.wait_indirect_dma semaphore(%arg13 : memref<!tpu.dma_semaphore, #tpu.memory_space<semaphore_mem>>) src(%dma_wait3A_195 : memref<256x32xf32, #tpu.memory_space<vmem>>) dst(%dma_wait3A_201 : memref<10240x32xf32, #tpu.memory_space<vmem_shared>>)
    %dma_wait3A_202 = arith.constant 1 : i32
    %dma_wait3A_203 = arith.constant 0 : i32
    %dma_wait3A_204 = arith.constant 0 : i32
    %dma_wait3A_205 = arith.constant 0 : i32
    %dma_wait3A_206 = tpu.memref_slice %arg8[%dma_wait3A_202, %dma_wait3A_204, %dma_wait3A_205] : memref<2x256x32xf32, #tpu.memory_space<vmem>> -> memref<1x256x32xf32, #tpu.memory_space<vmem>>
    %dma_wait3A_207 = tpu.memref_squeeze %dma_wait3A_206 : memref<1x256x32xf32, #tpu.memory_space<vmem>> -> memref<256x32xf32, #tpu.memory_space<vmem>>
    %dma_wait3A_208 = arith.constant 0 : i32
    %dma_wait3A_209 = tpu.memref_slice %arg7[%dma_wait3A_203, %dma_wait3A_208] : memref<80x256xi32, #tpu.memory_space<vmem>> -> memref<1x256xi32, #tpu.memory_space<vmem>>
    %dma_wait3A_210 = tpu.memref_squeeze %dma_wait3A_209 : memref<1x256xi32, #tpu.memory_space<vmem>> -> memref<256xi32, #tpu.memory_space<vmem>>
    %dma_wait3A_211 = arith.constant 0 : i32
    %dma_wait3A_212 = arith.constant 0 : i32
    %dma_wait3A_213 = tpu.memref_slice %arg9[%dma_wait3A_211, %dma_wait3A_212] : memref<10240x32xf32, #tpu.memory_space<vmem_shared>> -> memref<10240x32xf32, #tpu.memory_space<vmem_shared>>
    tpu.wait_indirect_dma semaphore(%arg14 : memref<!tpu.dma_semaphore, #tpu.memory_space<semaphore_mem>>) src(%dma_wait3A_207 : memref<256x32xf32, #tpu.memory_space<vmem>>) dst(%dma_wait3A_213 : memref<10240x32xf32, #tpu.memory_space<vmem_shared>>)
    %barrier3A_214 = arith.constant 0 : index
    tpu.barrier barrier_id(%barrier3A_214)
    %mul3A_215 = arith.constant 2 : i32
    %mul3A_216 = arith.muli %mul3A_215, %arg0 : i32
    %add3A_217 = arith.constant 1 : i32
    %add3A_218 = arith.addi %mul3A_216, %add3A_217 : i32
    "tpu.region"() ({
      %run_scoped3A = tpu.sem_alloc : memref<!tpu.dma_semaphore, #tpu.memory_space<semaphore_mem>>
      %dma_start3A_220 = arith.constant 0 : i32
      %dma_start3A_221 = arith.constant 0 : i32
      %dma_start3A_222 = tpu.memref_slice %arg5[%add3A_218, %dma_start3A_220, %dma_start3A_221] : memref<4x10240x32xf32, #tpu.memory_space<hbm>> -> memref<1x10240x32xf32, #tpu.memory_space<hbm>>
      %dma_start3A_223 = tpu.memref_squeeze %dma_start3A_222 : memref<1x10240x32xf32, #tpu.memory_space<hbm>> -> memref<10240x32xf32, #tpu.memory_space<hbm>>
      %dma_start3A_224 = arith.constant 0 : i32
      %dma_start3A_225 = tpu.memref_slice %dma_start3A_223[%mul3A_0, %dma_start3A_224] : memref<10240x32xf32, #tpu.memory_space<hbm>> -> memref<640x32xf32, #tpu.memory_space<hbm>>
      %dma_start3A_226 = arith.constant 0 : i32
      %dma_start3A_227 = tpu.memref_slice %arg9[%mul3A_0, %dma_start3A_226] : memref<10240x32xf32, #tpu.memory_space<vmem_shared>> -> memref<640x32xf32, #tpu.memory_space<vmem_shared>>
      tpu.enqueue_dma source(%dma_start3A_227 : memref<640x32xf32, #tpu.memory_space<vmem_shared>>) target(%dma_start3A_225 : memref<640x32xf32, #tpu.memory_space<hbm>>) target_semaphore(%run_scoped3A : memref<!tpu.dma_semaphore, #tpu.memory_space<semaphore_mem>>)
      %dma_wait3A_228 = arith.constant 0 : i32
      %dma_wait3A_229 = arith.constant 0 : i32
      %dma_wait3A_230 = tpu.memref_slice %arg5[%add3A_218, %dma_wait3A_228, %dma_wait3A_229] : memref<4x10240x32xf32, #tpu.memory_space<hbm>> -> memref<1x10240x32xf32, #tpu.memory_space<hbm>>
      %dma_wait3A_231 = tpu.memref_squeeze %dma_wait3A_230 : memref<1x10240x32xf32, #tpu.memory_space<hbm>> -> memref<10240x32xf32, #tpu.memory_space<hbm>>
      %dma_wait3A_232 = arith.constant 0 : i32
      %dma_wait3A_233 = tpu.memref_slice %dma_wait3A_231[%mul3A_0, %dma_wait3A_232] : memref<10240x32xf32, #tpu.memory_space<hbm>> -> memref<640x32xf32, #tpu.memory_space<hbm>>
      %dma_wait3A_234 = arith.constant 0 : i32
      %dma_wait3A_235 = tpu.memref_slice %arg9[%mul3A_0, %dma_wait3A_234] : memref<10240x32xf32, #tpu.memory_space<vmem_shared>> -> memref<640x32xf32, #tpu.memory_space<vmem_shared>>
      tpu.wait_dma2 semaphore(%run_scoped3A : memref<!tpu.dma_semaphore, #tpu.memory_space<semaphore_mem>>) src(%dma_wait3A_235 : memref<640x32xf32, #tpu.memory_space<vmem_shared>>) dst(%dma_wait3A_233 : memref<640x32xf32, #tpu.memory_space<hbm>>)
      tpu.yield
    }) : () -> ()
    %barrier3A_219 = arith.constant 0 : index
    tpu.barrier barrier_id(%barrier3A_219)
    return
  }
}

module attributes {stable_mosaic.version = 14 : i64} {
  func.func @_mm_body(%arg0: i32, %arg1: memref<1280x128xf32, #tpu.memory_space<vmem>>, %arg2: memref<128x128xf32, #tpu.memory_space<vmem>>, %arg3: memref<1280x128xf32, #tpu.memory_space<vmem>>) attributes {dimension_semantics = [#tpu.dimension_semantics<arbitrary>], iteration_bounds = array<i64: 8>, scalar_prefetch = 0 : i64, scratch_operands = 0 : i64, tpu.core_type = #tpu.core_type<tc>, window_params = [{transform_indices = @transform_0, window_bounds = array<i64: 1280, 128>}, {pipeline_mode = #tpu.pipeline_mode<synchronous>, transform_indices = @transform_1, window_bounds = array<i64: 128, 128>}, {transform_indices = @transform_2, window_bounds = array<i64: 1280, 128>}]} {
    %get3A = arith.constant 0 : index
    %get3A_0 = arith.constant 0 : index
    %get3A_1 = vector.load %arg1[%get3A, %get3A_0] : memref<1280x128xf32, #tpu.memory_space<vmem>>, vector<1280x128xf32>
    %get3A_2 = arith.constant 0 : index
    %get3A_3 = arith.constant 0 : index
    %get3A_4 = vector.load %arg2[%get3A_2, %get3A_3] : memref<128x128xf32, #tpu.memory_space<vmem>>, vector<128x128xf32>
    %dot_general3A = arith.constant dense<0.000000e+00> : vector<1280x128xf32>
    %dot_general3A_5 = tpu.matmul %get3A_1, %get3A_4, %dot_general3A {dimension_numbers = #tpu.dot_dimension_numbers<[1], [0], [0], [1], [0, 0, 1, 1], [], []>, precision = #tpu.contract_precision<fp32>, transpose_lhs_hint = false} : vector<1280x128xf32>, vector<128x128xf32>, vector<1280x128xf32> -> vector<1280x128xf32>
    %swap3A = arith.constant 0 : index
    %swap3A_6 = arith.constant 0 : index
    %swap3A_7 = vector.load %arg3[%swap3A, %swap3A_6] : memref<1280x128xf32, #tpu.memory_space<vmem>>, vector<1280x128xf32>
    tpu.vector_store %arg3[%swap3A, %swap3A_6], %dot_general3A_5 {strides = array<i32>} : memref<1280x128xf32, #tpu.memory_space<vmem>>, vector<1280x128xf32>,
    return
  }
  func.func @transform_0(%arg0: i32) -> (i32, i32) {
    %c0_i32 = arith.constant 0 : i32
    %c0_i32_0 = arith.constant 0 : i32
    return %arg0, %c0_i32 : i32, i32
  }
  func.func @transform_1(%arg0: i32) -> (i32, i32) {
    %c0_i32 = arith.constant 0 : i32
    %c0_i32_0 = arith.constant 0 : i32
    %c0_i32_1 = arith.constant 0 : i32
    return %c0_i32, %c0_i32_0 : i32, i32
  }
  func.func @transform_2(%arg0: i32) -> (i32, i32) {
    %c0_i32 = arith.constant 0 : i32
    %c0_i32_0 = arith.constant 0 : i32
    return %arg0, %c0_i32 : i32, i32
  }
}

module attributes {stable_mosaic.version = 14 : i64} {
  func.func @_scale_body(%arg0: i32, %arg1: memref<1280x128xf32, #tpu.memory_space<vmem>>, %arg2: memref<32x1280xf32, #tpu.memory_space<vmem>>, %arg3: memref<4x1280x32xf32, #tpu.memory_space<vmem>>) attributes {dimension_semantics = [#tpu.dimension_semantics<arbitrary>], iteration_bounds = array<i64: 8>, scalar_prefetch = 0 : i64, scratch_operands = 0 : i64, tpu.core_type = #tpu.core_type<tc>, window_params = [{transform_indices = @transform_0, window_bounds = array<i64: 1280, 128>}, {transform_indices = @transform_1, window_bounds = array<i64: 32, 1280>}, {transform_indices = @transform_2, window_bounds = array<i64: 4, 1280, 32>}]} {
    %get3A = arith.constant 0 : index
    %get3A_0 = arith.constant 0 : index
    %get3A_1 = vector.load %arg2[%get3A, %get3A_0] : memref<32x1280xf32, #tpu.memory_space<vmem>>, vector<32x1280xf32>
    %reduce_sum3A = arith.constant dense<0.000000e+00> : vector<1280xf32>
    %reduce_sum3A_2 = vector.multi_reduction <add>, %get3A_1, %reduce_sum3A [0] : vector<32x1280xf32> to vector<1280xf32>
    %add3A = arith.constant 1.000000e+00 : f32
    %add3A_3 = vector.broadcast %add3A : f32 to vector<1280xf32>
    %add3A_4 = arith.addf %add3A_3, %reduce_sum3A_2 : vector<1280xf32>
    %rsqrt3A = math.rsqrt %add3A_4 : vector<1280xf32>
    %get3A_5 = arith.constant 0 : index
    %get3A_6 = arith.constant 0 : index
    %get3A_7 = vector.load %arg1[%get3A_5, %get3A_6] : memref<1280x128xf32, #tpu.memory_space<vmem>>, vector<1280x128xf32>
    %broadcast_in_dim3A = vector.shape_cast %rsqrt3A : vector<1280xf32> to vector<1280x1xf32>
    %mul3A = vector.broadcast %broadcast_in_dim3A : vector<1280x1xf32> to vector<1280x128xf32>
    %mul3A_8 = arith.mulf %get3A_7, %mul3A : vector<1280x128xf32>
    %slice3A = vector.extract_strided_slice %mul3A_8 {offsets = [0, 0], sizes = [1280, 32], strides = [1, 1]} : vector<1280x128xf32> to vector<1280x32xf32>
    %swap3A = arith.constant 0 : index
    %swap3A_9 = arith.constant 0 : index
    %swap3A_10 = arith.constant 0 : index
    %swap3A_11 = vector.load %arg3[%swap3A, %swap3A_9, %swap3A_10] : memref<4x1280x32xf32, #tpu.memory_space<vmem>>, vector<1x1280x32xf32>
    %swap3A_12 = vector.shape_cast %swap3A_11 : vector<1x1280x32xf32> to vector<1280x32xf32>
    %swap3A_13 = vector.shape_cast %slice3A : vector<1280x32xf32> to vector<1x1280x32xf32>
    tpu.vector_store %arg3[%swap3A, %swap3A_9, %swap3A_10], %swap3A_13 {strides = array<i32>} : memref<4x1280x32xf32, #tpu.memory_space<vmem>>, vector<1x1280x32xf32>,
    %slice3A_14 = vector.extract_strided_slice %mul3A_8 {offsets = [0, 32], sizes = [1280, 32], strides = [1, 1]} : vector<1280x128xf32> to vector<1280x32xf32>
    %swap3A_15 = arith.constant 1 : index
    %swap3A_16 = arith.constant 0 : index
    %swap3A_17 = arith.constant 0 : index
    %swap3A_18 = vector.load %arg3[%swap3A_15, %swap3A_16, %swap3A_17] : memref<4x1280x32xf32, #tpu.memory_space<vmem>>, vector<1x1280x32xf32>
    %swap3A_19 = vector.shape_cast %swap3A_18 : vector<1x1280x32xf32> to vector<1280x32xf32>
    %swap3A_20 = vector.shape_cast %slice3A_14 : vector<1280x32xf32> to vector<1x1280x32xf32>
    tpu.vector_store %arg3[%swap3A_15, %swap3A_16, %swap3A_17], %swap3A_20 {strides = array<i32>} : memref<4x1280x32xf32, #tpu.memory_space<vmem>>, vector<1x1280x32xf32>,
    %slice3A_21 = vector.extract_strided_slice %mul3A_8 {offsets = [0, 64], sizes = [1280, 32], strides = [1, 1]} : vector<1280x128xf32> to vector<1280x32xf32>
    %swap3A_22 = arith.constant 2 : index
    %swap3A_23 = arith.constant 0 : index
    %swap3A_24 = arith.constant 0 : index
    %swap3A_25 = vector.load %arg3[%swap3A_22, %swap3A_23, %swap3A_24] : memref<4x1280x32xf32, #tpu.memory_space<vmem>>, vector<1x1280x32xf32>
    %swap3A_26 = vector.shape_cast %swap3A_25 : vector<1x1280x32xf32> to vector<1280x32xf32>
    %swap3A_27 = vector.shape_cast %slice3A_21 : vector<1280x32xf32> to vector<1x1280x32xf32>
    tpu.vector_store %arg3[%swap3A_22, %swap3A_23, %swap3A_24], %swap3A_27 {strides = array<i32>} : memref<4x1280x32xf32, #tpu.memory_space<vmem>>, vector<1x1280x32xf32>,
    %slice3A_28 = vector.extract_strided_slice %mul3A_8 {offsets = [0, 96], sizes = [1280, 32], strides = [1, 1]} : vector<1280x128xf32> to vector<1280x32xf32>
    %swap3A_29 = arith.constant 3 : index
    %swap3A_30 = arith.constant 0 : index
    %swap3A_31 = arith.constant 0 : index
    %swap3A_32 = vector.load %arg3[%swap3A_29, %swap3A_30, %swap3A_31] : memref<4x1280x32xf32, #tpu.memory_space<vmem>>, vector<1x1280x32xf32>
    %swap3A_33 = vector.shape_cast %swap3A_32 : vector<1x1280x32xf32> to vector<1280x32xf32>
    %swap3A_34 = vector.shape_cast %slice3A_28 : vector<1280x32xf32> to vector<1x1280x32xf32>
    tpu.vector_store %arg3[%swap3A_29, %swap3A_30, %swap3A_31], %swap3A_34 {strides = array<i32>} : memref<4x1280x32xf32, #tpu.memory_space<vmem>>, vector<1x1280x32xf32>,
    return
  }
  func.func @transform_0(%arg0: i32) -> (i32, i32) {
    %c0_i32 = arith.constant 0 : i32
    %c0_i32_0 = arith.constant 0 : i32
    return %arg0, %c0_i32 : i32, i32
  }
  func.func @transform_1(%arg0: i32) -> (i32, i32) {
    %c0_i32 = arith.constant 0 : i32
    %c0_i32_0 = arith.constant 0 : i32
    return %c0_i32, %arg0 : i32, i32
  }
  func.func @transform_2(%arg0: i32) -> (i32, i32, i32) {
    %c0_i32 = arith.constant 0 : i32
    %c0_i32_0 = arith.constant 0 : i32
    %c0_i32_1 = arith.constant 0 : i32
    return %c0_i32, %arg0, %c0_i32_0 : i32, i32, i32
  }
}

module attributes {stable_mosaic.version = 14 : i64} {
  func.func @_post_body(%arg0: i32, %arg1: memref<4x1280x32xf32, #tpu.memory_space<vmem>>, %arg2: memref<32x1280xf32, #tpu.memory_space<vmem>>, %arg3: memref<1x128xf32, #tpu.memory_space<vmem>>, %arg4: memref<1280x128xf32, #tpu.memory_space<vmem>>) attributes {dimension_semantics = [#tpu.dimension_semantics<arbitrary>], iteration_bounds = array<i64: 8>, scalar_prefetch = 0 : i64, scratch_operands = 0 : i64, tpu.core_type = #tpu.core_type<tc>, window_params = [{transform_indices = @transform_0, window_bounds = array<i64: 4, 1280, 32>}, {transform_indices = @transform_1, window_bounds = array<i64: 32, 1280>}, {pipeline_mode = #tpu.pipeline_mode<synchronous>, transform_indices = @transform_2, window_bounds = array<i64: 1, 128>}, {transform_indices = @transform_3, window_bounds = array<i64: 1280, 128>}]} {
    %get3A = arith.constant 0 : index
    %get3A_0 = arith.constant 0 : index
    %get3A_1 = arith.constant 0 : index
    %get3A_2 = vector.load %arg1[%get3A, %get3A_0, %get3A_1] : memref<4x1280x32xf32, #tpu.memory_space<vmem>>, vector<1x1280x32xf32>
    %get3A_3 = vector.shape_cast %get3A_2 : vector<1x1280x32xf32> to vector<1280x32xf32>
    %get3A_4 = arith.constant 1 : index
    %get3A_5 = arith.constant 0 : index
    %get3A_6 = arith.constant 0 : index
    %get3A_7 = vector.load %arg1[%get3A_4, %get3A_5, %get3A_6] : memref<4x1280x32xf32, #tpu.memory_space<vmem>>, vector<1x1280x32xf32>
    %get3A_8 = vector.shape_cast %get3A_7 : vector<1x1280x32xf32> to vector<1280x32xf32>
    %get3A_9 = arith.constant 2 : index
    %get3A_10 = arith.constant 0 : index
    %get3A_11 = arith.constant 0 : index
    %get3A_12 = vector.load %arg1[%get3A_9, %get3A_10, %get3A_11] : memref<4x1280x32xf32, #tpu.memory_space<vmem>>, vector<1x1280x32xf32>
    %get3A_13 = vector.shape_cast %get3A_12 : vector<1x1280x32xf32> to vector<1280x32xf32>
    %get3A_14 = arith.constant 3 : index
    %get3A_15 = arith.constant 0 : index
    %get3A_16 = arith.constant 0 : index
    %get3A_17 = vector.load %arg1[%get3A_14, %get3A_15, %get3A_16] : memref<4x1280x32xf32, #tpu.memory_space<vmem>>, vector<1x1280x32xf32>
    %get3A_18 = vector.shape_cast %get3A_17 : vector<1x1280x32xf32> to vector<1280x32xf32>
    %concatenate3A = tpu.concatenate %get3A_3, %get3A_8, %get3A_13, %get3A_18 in 1 : vector<1280x32xf32>, vector<1280x32xf32>, vector<1280x32xf32>, vector<1280x32xf32> -> vector<1280x128xf32>
    %get3A_19 = arith.constant 0 : index
    %get3A_20 = arith.constant 0 : index
    %get3A_21 = vector.load %arg2[%get3A_19, %get3A_20] : memref<32x1280xf32, #tpu.memory_space<vmem>>, vector<32x1280xf32>
    %reduce_sum3A = arith.constant dense<0.000000e+00> : vector<1280xf32>
    %reduce_sum3A_22 = vector.multi_reduction <add>, %get3A_21, %reduce_sum3A [0] : vector<32x1280xf32> to vector<1280xf32>
    %add3A = arith.constant 1.000000e+00 : f32
    %add3A_23 = vector.broadcast %add3A : f32 to vector<1280xf32>
    %add3A_24 = arith.addf %add3A_23, %reduce_sum3A_22 : vector<1280xf32>
    %rsqrt3A = math.rsqrt %add3A_24 : vector<1280xf32>
    %broadcast_in_dim3A = vector.shape_cast %rsqrt3A : vector<1280xf32> to vector<1280x1xf32>
    %mul3A = vector.broadcast %broadcast_in_dim3A : vector<1280x1xf32> to vector<1280x128xf32>
    %mul3A_25 = arith.mulf %concatenate3A, %mul3A : vector<1280x128xf32>
    %get3A_26 = arith.constant 0 : index
    %get3A_27 = arith.constant 0 : index
    %get3A_28 = vector.load %arg3[%get3A_26, %get3A_27] : memref<1x128xf32, #tpu.memory_space<vmem>>, vector<1x128xf32>
    %add3A_29 = vector.broadcast %get3A_28 : vector<1x128xf32> to vector<1280x128xf32>
    %add3A_30 = arith.addf %mul3A_25, %add3A_29 : vector<1280x128xf32>
    %custom_jvp_call3A = arith.constant 0.000000e+00 : f32
    %max3A = vector.broadcast %custom_jvp_call3A : f32 to vector<1280x128xf32>
    %max3A_31 = arith.maximumf %add3A_30, %max3A : vector<1280x128xf32>
    %sub3A = vector.broadcast %custom_jvp_call3A : f32 to vector<1280x128xf32>
    %sub3A_32 = arith.subf %add3A_30, %sub3A : vector<1280x128xf32>
    %ne3A = arith.cmpf one, %sub3A_32, %sub3A_32 : vector<1280x128xf32>
    %add3A_33 = vector.broadcast %custom_jvp_call3A : f32 to vector<1280x128xf32>
    %add3A_34 = arith.addf %add3A_30, %add3A_33 : vector<1280x128xf32>
    %abs3A = math.absf %sub3A_32 : vector<1280x128xf32>
    %neg3A = arith.constant 0.000000e+00 : f32
    %neg3A_35 = vector.broadcast %neg3A : f32 to vector<1280x128xf32>
    %neg3A_36 = arith.subf %neg3A_35, %abs3A : vector<1280x128xf32>
    %exp3A = math.exp %neg3A_36 : vector<1280x128xf32>
    %log1p3A = math.log1p %exp3A : vector<1280x128xf32>
    %add3A_37 = arith.addf %max3A_31, %log1p3A : vector<1280x128xf32>
    %select_n3A = arith.select %ne3A, %add3A_34, %add3A_37 : vector<1280x128xi1>, vector<1280x128xf32>
    %tanh3A = math.tanh %select_n3A : vector<1280x128xf32>
    %mul3A_38 = arith.mulf %add3A_30, %tanh3A : vector<1280x128xf32>
    %swap3A = arith.constant 0 : index
    %swap3A_39 = arith.constant 0 : index
    %swap3A_40 = vector.load %arg4[%swap3A, %swap3A_39] : memref<1280x128xf32, #tpu.memory_space<vmem>>, vector<1280x128xf32>
    tpu.vector_store %arg4[%swap3A, %swap3A_39], %mul3A_38 {strides = array<i32>} : memref<1280x128xf32, #tpu.memory_space<vmem>>, vector<1280x128xf32>,
    return
  }
  func.func @transform_0(%arg0: i32) -> (i32, i32, i32) {
    %c0_i32 = arith.constant 0 : i32
    %c0_i32_0 = arith.constant 0 : i32
    %c0_i32_1 = arith.constant 0 : i32
    return %c0_i32, %arg0, %c0_i32_0 : i32, i32, i32
  }
  func.func @transform_1(%arg0: i32) -> (i32, i32) {
    %c0_i32 = arith.constant 0 : i32
    %c0_i32_0 = arith.constant 0 : i32
    return %c0_i32, %arg0 : i32, i32
  }
  func.func @transform_2(%arg0: i32) -> (i32, i32) {
    %c0_i32 = arith.constant 0 : i32
    %c0_i32_0 = arith.constant 0 : i32
    %c0_i32_1 = arith.constant 0 : i32
    return %c0_i32, %c0_i32_0 : i32, i32
  }
  func.func @transform_3(%arg0: i32) -> (i32, i32) {
    %c0_i32 = arith.constant 0 : i32
    %c0_i32_0 = arith.constant 0 : i32
    return %arg0, %c0_i32 : i32, i32
  }
}

</mosaic_0001>

<sc_bundles>
// kernel: kernel.10.cloned.1.call-start
scs
__scs_entry_jumppad:
0x0: {  	(pc) =	sbr.rel $0x88, $3  }
0x1: {  	(tag) =	ssettag $0x0;
	lr =	simm.s32 $0x1  }
0x2: {  	[smem:$0x3F9D] =	sst lr;
	_ =	strace $0xD0000000  }
0x3: {  	_ = 	snop  }
0x4: {  	_ = 	snop  }
0x5: {  	_ = 	snop  }
0x6: {  	_ = 	snop  }
0x7: {  	_ = 	snop  }
__scs_overlays_trampoline_lowered:
0x8: {  	[smem:$0x3FAC] =	sst s0  }
0x9: {  	[smem:$0x3FAD] =	sst s1  }
0xa: {  	[smem:$0x3FAE] =	sst s2  }
0xb: {  	[smem:$0x3FAF] =	sst s3  }
0xc: {  	[smem:$0x3FB0] =	sst s4  }
0xd: {  	[smem:$0x3FB1] =	sst s5  }
0xe: {  	[smem:$0x3FB2] =	sst s6  }
0xf: {  	[smem:$0x3FB3] =	sst s7  }
0x10: {  	[smem:$0x3FB4] =	sst s8  }
0x11: {  	[smem:$0x3FB5] =	sst s9;
	s0 =	simm.s32 @!p0 $0x0  }
0x12: {  	s1 =	sld [smem:$0x3F9B];
	s0 =	simm.s32 @p0 $0x1  }
0x13: {  	[smem:$0x3FB6] =	sst s0;
	s0 =	simm.s32 @!p1 $0x0  }
0x14: {  	s2 =	sld [smem:$0x3F9A];
	s0 =	simm.s32 @p1 $0x1  }
0x15: {  	[smem:$0x3FB7] =	sst s0;
	s0 =	simm.s32 @!p2 $0x0  }
0x16: {  	s3 =	sld [smem:$0x3FDB];
	s0 =	simm.s32 @p2 $0x1  }
0x17: {  	s4 =	simm.s32 $0x1BF5;
	[smem:$0x3FB9] =	sst s0  }
0x18: {  	s0 =	sld [smem:$0x3F9C];
	_ =	swait.ge [sflag:s4], $0x0  }
0x19: {  	s7 =	sld [smem:$0x3F9D]  }
0x1a: {  	s8 =	sadd.s32 $0xFFFFE003, lr  }
0x1b: {  	s9 =	sadd.s32 $0xFFFFFEF7, lr;
	s5 =	simm.s32 $0xFFFFFFFF;
	p2 =	slt.u32 s8, $0xFFFFF086  }
0x1c: {  	p1 =	slt.u32 s9, $0xF7A;
	s5 =	simm.s32 @!p2 $0x0  }
0x1d: {  	s5 =	simm.s32 @p1 $0x1;
	p0 =	seq.s32 s7, s2  }
0x1e: {  	s7 =	smul.u32 @!p0 $0xF7A, s2;
	p2 =	seq.s32 @!p0 s5, $0x0  }
0x1f: {  	s9 =	smul.u32 $0xF7A, s1;
	s8 =	simm.s32 @!p0 $0x1BF5;
	p2 =	por !p2, p0  }
0x20: {  	[sflag:s8] =	ssyncset.s32 @!p0 $0xFFFFF086;
	s6 =	sadd.s32 @!p0 s3, s7;
	s7 =	simm.s32 @!p0 $0x108  }
0x21: {  	s3 =	sadd.s32 s3, s9;
	s6 =	sadd.s32 @!p0 $0x88, s6;
	s7 =	simm.s32 @p2 $0x1082  }
0x22: {  	[simem:s7], [sflag:s8] =	dma.local @!p0 [hbm:s6], $0xF7A  }
0x23: {  	s9 =	sor.u32 $0xD0000000, s2;
	s6 =	simm.s32 $0x108;
	_ =	swait.ge @!p0 [sflag:s8], $0x0  }
0x24: {  	s3 =	sadd.s32 $0x88, s3;
	s6 =	simm.s32 @!p1 $0x1082;
	[sflag:s4] =	ssyncset.s32 $0xFFFFF086  }
0x25: {  	[simem:s6], [sflag:s4] =	dma.local [hbm:s3], $0xF7A  }
0x26: {  	[smem:$0x3F9D] =	sst s1;
	(tag) =	ssettag s2;
	_ =	strace s9  }
0x27: {  	s1 =	sld [smem:$0x3FAD]  }
0x28: {  	s2 =	sld [smem:$0x3FAE]  }
0x29: {  	s4 =	sld [smem:$0x3FB0]  }
0x2a: {  	p0 =	seq.s32 s5, $0x0;
	s5 =	sld [smem:$0x3FB1]  }
0x2b: {  	s6 =	sld [smem:$0x3FB2]  }
0x2c: {  	s7 =	sld [smem:$0x3FB3]  }
0x2d: {  	s3 =	simm.s32 $0x108;
	s8 =	sld [smem:$0x3FB4]  }
0x2e: {  	s3 =	simm.s32 @!p0 $0x1082;
	s9 =	sld [smem:$0x3FB5]  }
0x2f: {  	lr =	sadd.s32 s0, s3;
	s0 =	sld [smem:$0x3FAC]  }
0x30: {  	s3 =	sld [smem:$0x3FAF]  }
0x31: {  	[smem:$0x3FB8] =	sst s10  }
0x32: {  	s10 =	sld [smem:$0x3FB6];
	_ =	sdelay $0x3  }
0x33: {  	p0 =	seq.s32 s10, $0x1;
	s10 =	sld [smem:$0x3FB8];
	_ =	sdelay $0x3  }
0x34: {  	[smem:$0x3FB8] =	sst s10  }
0x35: {  	s10 =	sld [smem:$0x3FB7];
	_ =	sdelay $0x3  }
0x36: {  	p1 =	seq.s32 s10, $0x1;
	s10 =	sld [smem:$0x3FB8];
	_ =	sdelay $0x3  }
0x37: {  	[smem:$0x3FB8] =	sst s10  }
0x38: {  	s10 =	sld [smem:$0x3FB9]  }
0x39: {  	_ = 	snop;
	(pc) =	sbr.ind lr, $3  }
0x3a: {  	_ = 	snop  }
0x3b: {  	_ = 	snop  }
0x3c: {  	p2 =	seq.s32 s10, $0x1;
	s10 =	sld [smem:$0x3FB8]  }
0x3d: {  	_ =	shalt  }
0x3e: {  	_ =	shalt  }
0x3f: {  	_ =	shalt  }
0x40: {  	_ =	shalt  }
0x41: {  	_ =	shalt  }
0x42: {  	_ =	shalt  }
0x43: {  	_ =	shalt  }
0x44: {  	_ =	shalt  }
0x45: {  	_ =	shalt  }
0x46: {  	_ =	shalt  }
0x47: {  	_ =	shalt  }
0x48: {  	_ =	shalt  }
0x49: {  	_ =	shalt  }
0x4a: {  	_ =	shalt  }
0x4b: {  	_ =	shalt  }
0x4c: {  	_ =	shalt  }
0x4d: {  	_ =	shalt  }
0x4e: {  	_ =	shalt  }
0x4f: {  	_ =	shalt  }
0x50: {  	_ =	shalt  }
0x51: {  	_ =	shalt  }
0x52: {  	_ =	shalt  }
0x53: {  	_ =	shalt  }
0x54: {  	_ =	shalt  }
0x55: {  	_ =	shalt  }
0x56: {  	_ =	shalt  }
0x57: {  	_ =	shalt  }
0x58: {  	_ =	shalt  }
0x59: {  	_ =	shalt  }
0x5a: {  	_ =	shalt  }
0x5b: {  	_ =	shalt  }
0x5c: {  	_ =	shalt  }
0x5d: {  	_ =	shalt  }
0x5e: {  	_ =	shalt  }
0x5f: {  	_ =	shalt  }
0x60: {  	_ =	shalt  }
0x61: {  	_ =	shalt  }
0x62: {  	_ =	shalt  }
0x63: {  	_ =	shalt  }
0x64: {  	_ =	shalt  }
0x65: {  	_ =	shalt  }
0x66: {  	_ =	shalt  }
0x67: {  	_ =	shalt  }
0x68: {  	_ =	shalt  }
0x69: {  	_ =	shalt  }
0x6a: {  	_ =	shalt  }
0x6b: {  	_ =	shalt  }
0x6c: {  	_ =	shalt  }
0x6d: {  	_ =	shalt  }
0x6e: {  	_ =	shalt  }
0x6f: {  	_ =	shalt  }
0x70: {  	_ =	shalt  }
0x71: {  	_ =	shalt  }
0x72: {  	_ =	shalt  }
0x73: {  	_ =	shalt  }
0x74: {  	_ =	shalt  }
0x75: {  	_ =	shalt  }
0x76: {  	_ =	shalt  }
0x77: {  	_ =	shalt  }
0x78: {  	_ =	shalt  }
0x79: {  	_ =	shalt  }
0x7a: {  	_ =	shalt  }
0x7b: {  	_ =	shalt  }
0x7c: {  	_ =	shalt  }
0x7d: {  	_ =	shalt  }
0x7e: {  	_ =	shalt  }
0x7f: {  	_ =	shalt  }
0x80: {  	_ =	shalt  }
0x81: {  	_ =	shalt  }
0x82: {  	_ =	shalt  }
0x83: {  	_ =	shalt  }
0x84: {  	_ =	shalt  }
0x85: {  	_ =	shalt  }
0x86: {  	_ =	shalt  }
0x87: {  	_ =	shalt  }
.Lfunc_end0:
.L_simem_size_0:
called_computation.1_lowered:
.L_overlay_start_0:
0x88: {  	s2 =	sld [smem:$0x3FD9]  }
0x89: {  	s3 =	sld [smem:$0x3FFE];
	_ =	sdelay $0x1  }
0x8a: {  	s1 =	srdreg.scid  }
0x8b: {  	s0 =	sand.u32 $0x1, s1  }
0x8c: {  	s16 =	sshll.u32 s0, $0xA;
	s2 =	sadd.s32 s3, s2  }
0x8d: {  	s2 =	sadd.s32 s2, s16  }
0x8e: {  	[smem:$0x3FC4] =	sst s2  }
0x8f: {  	_ = 	snop  }
0x90: {  	(tm) =	ssettm $0x1  }
0x91: {  	s17 =	sld [smem:$0x3FFB];
	_ =	sdelay $0x3  }
0x92: {  	_ =	strace s17  }
0x93: {  	s2 =	sld [smem:$0x3FFC];
	_ =	sdelay $0x3  }
0x94: {  	_ =	strace s2  }
0x95: {  	s2 =	sld [smem:$0x3FFD];
	_ =	sdelay $0x3  }
0x96: {  	_ =	strace s2  }
0x97: {  	_ =	strace $0x8FFFFFFF  }
0x98: {  	s18 =	sld [smem:$0x3FDB];
	_ =	sdelay $0x1  }
0x99: {  	s19 =	simm.s32 $_scs_section_size  }
0x9a: {  	s4 =	simm.s32 $_size__tile_overlayer_lowered;
	s5 =	simm.s32 $_tile_overlayer_lowered  }
0x9b: {  	s22 =	simm.s32 $0x1BFF;
	s21 =	sshll.u32 s5, $0x1;
	s2 =	sadd.s32 s19, s18  }
0x9c: {  	s6 =	simm.s32 $0x0;
	s20 =	sshll.u32 s4, $0x1;
	s4 =	sadd.s32 s21, s2  }
0x9d: {  	[timem:s6], [sflag:s22] =	dma.local [hbm:s4], s20  }
0x9e: {  	_ =	swait.ge [sflag:s22], s20  }
0x9f: {  	s3 =	ssub.s32 $0x0, s20;
	[sflag:s22] =	ssyncset.done $0x0  }
0xa0: {  	[sflag:s22] =	ssyncadd.s32 s3;
	_ =	sdelay $0x1  }
0xa1: {  	s23 =	simm.s32 $0x1B8B  }
0xa2: {  	_ =	swait.ge [sflag:s23], $0x1  }
0xa3: {  	[sflag:s23] =	ssyncset.done $0x0  }
0xa4: {  	s25 =	simm.s32 $0x1B8E;
	s24 =	sld [smem:$0x3FFE];
	[sflag:s23] =	ssyncadd.s32 $0xFFFFFFFF  }
0xa5: {  	s26 =	simm.s32 $execute0_lowered;
	[smem:$0x3FD2] =	sst s25  }
0xa6: {  	s4 =	sshll.u32 s26, $0x1;
	_ =	strace $0x80000049;
	[dreg:$0x1] =	wrdreg $0xFFFFFFFF  }
0xa7: {  	s28 =	simm.s32 $_size_execute0_lowered;
	s2 =	sadd.s32 s2, s4;
	[dreg:$0x0] =	wrdreg $0x0  }
0xa8: {  	s4 =	sshll.u32 s28, $0x1;
	[dreg:$0x2] =	wrdreg s2  }
0xa9: {  	[dreg:$0x3] =	wrdreg s4  }
0xaa: {  	[dreg:$0x4] =	wrdreg $0xC0  }
0xab: {  	_ =	task [dreg:s6], $0x5FFFF  }
0xac: {  	[dreg:$0x1] =	wrdreg $0xFFFFFFFF  }
0xad: {  	[dreg:$0x0] =	wrdreg $0x60  }
0xae: {  	[dreg:$0x2] =	wrdreg s24  }
0xaf: {  	[dreg:$0x3] =	wrdreg $0xE0000  }
0xb0: {  	[dreg:$0x4] =	wrdreg $0x130000  }
0xb1: {  	[dreg:$0x5] =	wrdreg $0x9  }
0xb2: {  	_ =	task.clear_ibuf [dreg:s6], $0x6FFFF;
	_ =	strace $0x90000049  }
0xb3: {  	s29 =	simm.s32 $0x9;
	_ =	strace $0x8000004B  }
0xb4: {  	_ =	swait.ge [sflag:s29], $0x1  }
0xb5: {  	[sflag:s29] =	ssyncadd.s32 $0xFFFFFFFF  }
0xb6: {  	_ =	strace $0x9000004B  }
0xb7: {  	_ =	sfence  }
0xb8: {  	s30 =	sld [smem:$0x0];
	_ =	sdelay $0x2  }
0xb9: {  	s31 =	sshll.u32 s1, $0xD;
	s1 =	sshrl.u32 s1, $0x2  }
0xba: {  	s3 =	sand.u32 $0x4000, s31;
	s1 =	sadd.s32 s1, s30  }
0xbb: {  	s0 =	sor.u32 s3, s0;
	s1 =	sshll.u32 s1, $0x11  }
0xbc: {  	s0 =	sor.u32 s1, s0  }
0xbd: {  	s0 =	sadd.s32 $0x8F2B, s0  }
0xbe: {  	[sflag:s0] =	ssyncadd.remote.s32 $0x1  }
0xbf: {  	_ =	sfence.sel $0xFFFF  }
0xc0: {  	[dreg:$0x0] =	wrdreg $0xFFFFFFFF;
	(pc) =	sbr.abs _section_cstart, $3  }
0xc1: {  	[dreg:$0x1] =	wrdreg $0xFFFFFFFF  }
0xc2: {  	_ =	task.clear_ibuf [dreg:s6], $0x2FFFF;
	_ =	strace $0x9FFFFFFF  }
0xc3: {  	(tm) =	ssettm $0x7FFFFFFF  }
tec
execute0_lowered:
.L_overlay_start_1:
0x0: {  	(tag) =	ssettag $0x1  }
0x1: {  	s5 =	rddreg [dreg:$0x0]  }
0x2: {  	s1 =	rddreg [dreg:$0x1]  }
0x3: {  	s3 =	rddreg [dreg:$0x2]  }
0x4: {  	s0 =	rddreg [dreg:$0x3]  }
0x5: {  	s4 =	simm.s32 $0x0;
	s2 =	stileid.u32;
	s7 =	srdreg.scid  }
0x6: {  	s16 =	simm.s32 $0xC000;
	s17 =	simm.s32 $0x1;
	s18 =	simm.s32 $0x2  }
0x7: {  	s19 =	simm.s32 $0x3;
	s20 =	simm.s32 $0x4;
	s21 =	simm.s32 $0x9E00  }
0x8: {  	s26 =	simm.s32 $0x0;
	[smem:$0x7FF] =	sst s4;
	s6 =	smul.u32 $0xA00, s2  }
0x9: {  	s8 =	sadd.s32 $0xBF000, s5;
	s7 =	sand.u32 $0x1, s7;
	s9 =	smul.u32 $0x5000, s2  }
0xa: {  	s12 =	sadd.s32 $0x1F000, s5;
	s31 =	sshll.u32 s2, $0x6;
	s11 =	smul.u32 $0x14000, s7  }
0xb: {  	_ =	strace $0x8000004A;
	s10 =	ssub.s32 $0x2, s7;
	s7 =	smul.u32 $0xA0000, s7  }
0xc: {  	s6 =	sadd.s32 s6, s5;
	s30 =	sshrl.u32 s10, $0x1;
	s13 =	sadd.s32 s9, s1  }
0xd: {  	s24 =	sshrl.u32 s9, $0x3;
	s15 =	sadd.s32 s9, s3;
	s9 =	simm.s32 $0x5000  }
0xe: {  	s10 =	ssub.s32 s10, s30;
	s5 =	sadd.s32 $0x15000, s6;
	s6 =	sadd.s32 $0x1000, s6  }
0xf: {  	s14 =	sadd.s32 s8, s11;
	s7 =	sshrl.u32 s7, $0x3;
	s22 =	sadd.s32 s12, s11  }
0x10: {  	s11 =	sor.u32 $0x1C05, s31;
	s7 =	sadd.s32 $0xA000, s7;
	s22 =	sadd.s32 s24, s22  }
0x11: {  	s23 =	sadd.s32 s8, s7;
	s25 =	sadd.s32 s12, s7;
	s7 =	smax.u32 s10, $0x1  }
0x12: {  	s8 =	simm.s32 $0x5;
	s10 =	sadd.s32 s24, s14;
	s12 =	sshrl.u32 s13, $0x3  }
0x13: {  	s13 =	sshrl.u32 s15, $0x3;
	s14 =	simm.s32 $0x100;
	s15 =	simm.s32 $0xA000  }
0x14: {  	s23 =	sadd.s32 s24, s23;
	s24 =	sadd.s32 s24, s25;
	s25 =	simm.s32 $0x9F00  }
.LBB2_1:
0x15: {  	[tilespmem:s4], [sflag:$0x5] =	stream.linear.gather [hbm4b:s5+s4], $0x5000, $0x38;
	[tilespmem:$0x18000] =	vst v63  }
0x16: {  	_ =	swait.ge [sflag:s8], $0x5000  }
0x17: {  	[sflag:s8] =	ssyncset.done $0x0  }
0x18: {  	[sflag:s8] =	ssyncadd.s32 $0xFFFFB000  }
0x19: {  	[tilespmem:s9], [sflag:$0x5] =	stream.linear.gather [hbm4b:s6+s4], $0x5000, $0x38;
	[tilespmem:$0x18000] =	vst v63  }
0x1a: {  	_ =	swait.ge [sflag:s8], $0x5000  }
0x1b: {  	[sflag:s8] =	ssyncset.done $0x0  }
0x1c: {  	[sflag:s8] =	ssyncadd.s32 $0xFFFFB000  }
0x1d: {  	[spmem:s12], [sflag:s11] =	dma.local [hbm:s10], $0xA00  }
0x1e: {  	_ =	swait.ge [sflag:s8], $0xA00  }
0x1f: {  	[sflag:s8] =	ssyncset.done $0x0  }
0x20: {  	[sflag:s8] =	ssyncadd.s32 $0xFFFFF600  }
0x21: {  	[spmem:s13], [sflag:s11] =	dma.local [hbm:s10], $0xA00  }
0x22: {  	_ =	swait.ge [sflag:s8], $0xA00  }
0x23: {  	[sflag:s8] =	ssyncset.done $0x0  }
0x24: {  	[sflag:s8] =	ssyncadd.s32 $0xFFFFF600  }
0x25: {  	[bflag:$0x0] =	sbarrier.arrive $0xFFFF  }
0x26: {  	[tilespmem:s15], [sflag:$0x1] =	stream.indirect.gather [spmem:s3], $0x20, s4, s14, $0xb8;
	[tilespmem:$0x18000] =	vst v63  }
0x27: {  	_ = 	snop  }
0x28: {  	[tilespmem:s16], [sflag:$0x2] =	stream.indirect.gather [spmem:s3], $0x20, s14, s14, $0xb8;
	[tilespmem:$0x18000] =	vst v63  }
0x29: {  	_ =	swait.ge [sflag:s17], $0x2000  }
0x2a: {  	[sflag:s17] =	ssyncset.done $0x0  }
0x2b: {  	s28 =	simm.s32 $0x5000;
	[sflag:s17] =	ssyncadd.s32 $0xFFFFE000  }
0x2c: {  	[spmem:s1] =	stream.indirect.scatter.add.f32 [tilespmem:s15], [sflag:$0x3], $0x20, s28, s14, $0xb8;
	[tilespmem:$0x18000] =	vst v63  }
0x2d: {  	_ =	swait.ge [sflag:s18], $0x2000  }
0x2e: {  	[sflag:s18] =	ssyncset.done $0x0  }
0x2f: {  	s28 =	simm.s32 $0x5100;
	[sflag:s18] =	ssyncadd.s32 $0xFFFFE000  }
0x30: {  	[spmem:s1] =	stream.indirect.scatter.add.f32 [tilespmem:s16], [sflag:$0x4], $0x20, s28, s14, $0xb8;
	[tilespmem:$0x18000] =	vst v63  }
0x31: {  	_ =	swait.ge [sflag:s19], $0x2000  }
0x32: {  	[sflag:s19] =	ssyncset.done $0x0  }
0x33: {  	s28 =	simm.s32 $0x200;
	[sflag:s19] =	ssyncadd.s32 $0xFFFFE000  }
0x34: {  	[tilespmem:s15], [sflag:$0x1] =	stream.indirect.gather [spmem:s3], $0x20, s28, s14, $0xb8;
	[tilespmem:$0x18000] =	vst v63  }
0x35: {  	_ =	swait.ge [sflag:s20], $0x2000  }
0x36: {  	[sflag:s20] =	ssyncset.done $0x0  }
0x37: {  	s29 =	simm.s32 $0x300;
	s28 =	simm.s32 $0x800;
	[sflag:s20] =	ssyncadd.s32 $0xFFFFE000  }
.LBB2_2:
0x38: {  	[tilespmem:s16], [sflag:$0x2] =	stream.indirect.gather [spmem:s3], $0x20, s29, s14, $0xb8;
	[tilespmem:$0x18000] =	vst v63  }
0x39: {  	s29 =	smov.u32 s28  }
0x3a: {  	p0 =	sne.s32 s28, $0x13000;
	s28 =	sadd.s32 $0x800, s28;
	_ =	swait.ge [sflag:s17], $0x2000  }
0x3b: {  	s29 =	sshra.s32 s29, $0x2;
	[sflag:s17] =	ssyncset.done $0x0  }
0x3c: {  	s30 =	sadd.s32 $0x5000, s29;
	[sflag:s17] =	ssyncadd.s32 $0xFFFFE000  }
0x3d: {  	[spmem:s1] =	stream.indirect.scatter.add.f32 [tilespmem:s15], [sflag:$0x3], $0x20, s30, s14, $0xb8;
	[tilespmem:$0x18000] =	vst v63  }
0x3e: {  	_ =	swait.ge [sflag:s18], $0x2000  }
0x3f: {  	[sflag:s18] =	ssyncset.done $0x0  }
0x40: {  	s30 =	sadd.s32 $0x5100, s29;
	[sflag:s18] =	ssyncadd.s32 $0xFFFFE000  }
0x41: {  	[spmem:s1] =	stream.indirect.scatter.add.f32 [tilespmem:s16], [sflag:$0x4], $0x20, s30, s14, $0xb8;
	[tilespmem:$0x18000] =	vst v63  }
0x42: {  	_ =	swait.ge [sflag:s19], $0x2000  }
0x43: {  	[sflag:s19] =	ssyncset.done $0x0  }
.Ltmp0:
0x44: {  	s30 =	sadd.s32 $0x200, s29;
	[sflag:s19] =	ssyncadd.s32 $0xFFFFE000;
	(pc) =	sbr.rel @p0 .LBB2_2-.Ltmp0, $4  }
0x45: {  	[tilespmem:s15], [sflag:$0x1] =	stream.indirect.gather [spmem:s3], $0x20, s30, s14, $0xb8;
	[tilespmem:$0x18000] =	vst v63  }
0x46: {  	_ =	swait.ge [sflag:s20], $0x2000  }
0x47: {  	[sflag:s20] =	ssyncset.done $0x0  }
0x48: {  	s29 =	sadd.s32 $0x300, s29;
	[sflag:s20] =	ssyncadd.s32 $0xFFFFE000  }
0x49: {  	[tilespmem:s16], [sflag:$0x2] =	stream.indirect.gather [spmem:s3], $0x20, s29, s14, $0xb8;
	[tilespmem:$0x18000] =	vst v63  }
0x4a: {  	_ =	swait.ge [sflag:s17], $0x2000  }
0x4b: {  	[sflag:s17] =	ssyncset.done $0x0  }
0x4c: {  	[sflag:s17] =	ssyncadd.s32 $0xFFFFE000  }
0x4d: {  	[spmem:s1] =	stream.indirect.scatter.add.f32 [tilespmem:s15], [sflag:$0x3], $0x20, s21, s14, $0xb8;
	[tilespmem:$0x18000] =	vst v63  }
0x4e: {  	_ =	swait.ge [sflag:s18], $0x2000  }
0x4f: {  	[sflag:s18] =	ssyncset.done $0x0  }
0x50: {  	[sflag:s18] =	ssyncadd.s32 $0xFFFFE000  }
0x51: {  	[spmem:s1] =	stream.indirect.scatter.add.f32 [tilespmem:s16], [sflag:$0x4], $0x20, s25, s14, $0xb8;
	[tilespmem:$0x18000] =	vst v63  }
0x52: {  	_ =	swait.ge [sflag:s19], $0x2000  }
0x53: {  	[sflag:s19] =	ssyncset.done $0x0  }
0x54: {  	[sflag:s19] =	ssyncadd.s32 $0xFFFFE000  }
0x55: {  	_ =	swait.ge [sflag:s20], $0x2000  }
0x56: {  	[sflag:s20] =	ssyncset.done $0x0  }
0x57: {  	[sflag:s20] =	ssyncadd.s32 $0xFFFFE000  }
0x58: {  	[bflag:$0x0] =	sbarrier.arrive $0xFFFF  }
0x59: {  	[hbm:s22], [sflag:s11] =	dma.local [spmem:s12], $0xA00  }
0x5a: {  	_ =	swait.ge [sflag:s8], $0xA00  }
0x5b: {  	[sflag:s8] =	ssyncset.done $0x0  }
0x5c: {  	[sflag:s8] =	ssyncadd.s32 $0xFFFFF600  }
0x5d: {  	[bflag:$0x0] =	sbarrier.arrive $0xFFFF  }
0x5e: {  	[spmem:s12], [sflag:s11] =	dma.local [hbm:s23], $0xA00  }
0x5f: {  	_ =	swait.ge [sflag:s8], $0xA00  }
0x60: {  	[sflag:s8] =	ssyncset.done $0x0  }
0x61: {  	[sflag:s8] =	ssyncadd.s32 $0xFFFFF600  }
0x62: {  	[spmem:s13], [sflag:s11] =	dma.local [hbm:s23], $0xA00  }
0x63: {  	_ =	swait.ge [sflag:s8], $0xA00  }
0x64: {  	[sflag:s8] =	ssyncset.done $0x0  }
0x65: {  	[sflag:s8] =	ssyncadd.s32 $0xFFFFF600  }
0x66: {  	s28 =	simm.s32 $0x0;
	[bflag:$0x0] =	sbarrier.arrive $0xFFFF  }
0x67: {  	[tilespmem:s15], [sflag:$0x1] =	stream.indirect.gather [spmem:s3], $0x20, s28, s14, $0xb8;
	[tilespmem:$0x18000] =	vst v63  }
0x68: {  	_ = 	snop  }
0x69: {  	[tilespmem:s16], [sflag:$0x2] =	stream.indirect.gather [spmem:s3], $0x20, s14, s14, $0xb8;
	[tilespmem:$0x18000] =	vst v63  }
0x6a: {  	_ =	swait.ge [sflag:s17], $0x2000  }
0x6b: {  	[sflag:s17] =	ssyncset.done $0x0  }
0x6c: {  	s28 =	simm.s32 $0x5000;
	[sflag:s17] =	ssyncadd.s32 $0xFFFFE000  }
0x6d: {  	[spmem:s1] =	stream.indirect.scatter.add.f32 [tilespmem:s15], [sflag:$0x3], $0x20, s28, s14, $0xb8;
	[tilespmem:$0x18000] =	vst v63  }
0x6e: {  	_ =	swait.ge [sflag:s18], $0x2000  }
0x6f: {  	[sflag:s18] =	ssyncset.done $0x0  }
0x70: {  	s28 =	simm.s32 $0x5100;
	[sflag:s18] =	ssyncadd.s32 $0xFFFFE000  }
0x71: {  	[spmem:s1] =	stream.indirect.scatter.add.f32 [tilespmem:s16], [sflag:$0x4], $0x20, s28, s14, $0xb8;
	[tilespmem:$0x18000] =	vst v63  }
0x72: {  	_ =	swait.ge [sflag:s19], $0x2000  }
0x73: {  	[sflag:s19] =	ssyncset.done $0x0  }
0x74: {  	s28 =	simm.s32 $0x200;
	[sflag:s19] =	ssyncadd.s32 $0xFFFFE000  }
0x75: {  	[tilespmem:s15], [sflag:$0x1] =	stream.indirect.gather [spmem:s3], $0x20, s28, s14, $0xb8;
	[tilespmem:$0x18000] =	vst v63  }
0x76: {  	_ =	swait.ge [sflag:s20], $0x2000  }
0x77: {  	[sflag:s20] =	ssyncset.done $0x0  }
0x78: {  	s29 =	simm.s32 $0x300;
	s28 =	simm.s32 $0x800;
	[sflag:s20] =	ssyncadd.s32 $0xFFFFE000  }
.LBB2_4:
0x79: {  	[tilespmem:s16], [sflag:$0x2] =	stream.indirect.gather [spmem:s3], $0x20, s29, s14, $0xb8;
	[tilespmem:$0x18000] =	vst v63  }
0x7a: {  	s29 =	smov.u32 s28  }
0x7b: {  	p0 =	sne.s32 s28, $0x13000;
	s28 =	sadd.s32 $0x800, s28;
	_ =	swait.ge [sflag:s17], $0x2000  }
0x7c: {  	s29 =	sshra.s32 s29, $0x2;
	[sflag:s17] =	ssyncset.done $0x0  }
0x7d: {  	s30 =	sadd.s32 $0x5000, s29;
	[sflag:s17] =	ssyncadd.s32 $0xFFFFE000  }
0x7e: {  	[spmem:s1] =	stream.indirect.scatter.add.f32 [tilespmem:s15], [sflag:$0x3], $0x20, s30, s14, $0xb8;
	[tilespmem:$0x18000] =	vst v63  }
0x7f: {  	_ =	swait.ge [sflag:s18], $0x2000  }
0x80: {  	[sflag:s18] =	ssyncset.done $0x0  }
0x81: {  	s30 =	sadd.s32 $0x5100, s29;
	[sflag:s18] =	ssyncadd.s32 $0xFFFFE000  }
0x82: {  	[spmem:s1] =	stream.indirect.scatter.add.f32 [tilespmem:s16], [sflag:$0x4], $0x20, s30, s14, $0xb8;
	[tilespmem:$0x18000] =	vst v63  }
0x83: {  	_ =	swait.ge [sflag:s19], $0x2000  }
0x84: {  	[sflag:s19] =	ssyncset.done $0x0  }
.Ltmp1:
0x85: {  	s30 =	sadd.s32 $0x200, s29;
	[sflag:s19] =	ssyncadd.s32 $0xFFFFE000;
	(pc) =	sbr.rel @p0 .LBB2_4-.Ltmp1, $4  }
0x86: {  	[tilespmem:s15], [sflag:$0x1] =	stream.indirect.gather [spmem:s3], $0x20, s30, s14, $0xb8;
	[tilespmem:$0x18000] =	vst v63  }
0x87: {  	_ =	swait.ge [sflag:s20], $0x2000  }
0x88: {  	[sflag:s20] =	ssyncset.done $0x0  }
0x89: {  	s29 =	sadd.s32 $0x300, s29;
	[sflag:s20] =	ssyncadd.s32 $0xFFFFE000  }
0x8a: {  	[tilespmem:s16], [sflag:$0x2] =	stream.indirect.gather [spmem:s3], $0x20, s29, s14, $0xb8;
	[tilespmem:$0x18000] =	vst v63  }
0x8b: {  	_ =	swait.ge [sflag:s17], $0x2000  }
0x8c: {  	[sflag:s17] =	ssyncset.done $0x0  }
0x8d: {  	[sflag:s17] =	ssyncadd.s32 $0xFFFFE000  }
0x8e: {  	[spmem:s1] =	stream.indirect.scatter.add.f32 [tilespmem:s15], [sflag:$0x3], $0x20, s21, s14, $0xb8;
	[tilespmem:$0x18000] =	vst v63  }
0x8f: {  	_ =	swait.ge [sflag:s18], $0x2000  }
0x90: {  	[sflag:s18] =	ssyncset.done $0x0  }
0x91: {  	[sflag:s18] =	ssyncadd.s32 $0xFFFFE000  }
0x92: {  	[spmem:s1] =	stream.indirect.scatter.add.f32 [tilespmem:s16], [sflag:$0x4], $0x20, s25, s14, $0xb8;
	[tilespmem:$0x18000] =	vst v63  }
0x93: {  	_ =	swait.ge [sflag:s19], $0x2000  }
0x94: {  	[sflag:s19] =	ssyncset.done $0x0  }
0x95: {  	[sflag:s19] =	ssyncadd.s32 $0xFFFFE000  }
0x96: {  	_ =	swait.ge [sflag:s20], $0x2000  }
0x97: {  	[sflag:s20] =	ssyncset.done $0x0  }
0x98: {  	s26 =	sadd.s32 $0x1, s26;
	[sflag:s20] =	ssyncadd.s32 $0xFFFFE000  }
0x99: {  	p0 =	sne.s32 s26, s7;
	[bflag:$0x0] =	sbarrier.arrive $0xFFFF  }
0x9a: {  	[hbm:s24], [sflag:s11] =	dma.local [spmem:s12], $0xA00  }
.Ltmp2:
0x9b: {  	_ =	swait.ge [sflag:s8], $0xA00;
	(pc) =	sbr.rel @p0 .LBB2_1-.Ltmp2, $3  }
0x9c: {  	[sflag:s8] =	ssyncset.done $0x0  }
0x9d: {  	[sflag:s8] =	ssyncadd.s32 $0xFFFFF600  }
0x9e: {  	[bflag:$0x0] =	sbarrier.arrive $0xFFFF;
	_ =	sdelay $0x1  }
0x9f: {  	_ =	sfence.sel $0x180000  }
0xa0: {  	[bflag:$0x0] =	sbarrier.arrive $0xFFFF  }
0xa1: {  	p0 =	sne.s32 s2, $0x0;
	_ =	strace $0x9000004A  }
0xa2: {  	s0 =	sadd.s32 @!p0 $0x100000, s0;
	[bflag:$0x2] =	sbarrier.arrive $0xFFFF  }
0xa3: {  	[sflag:s0] =	ssyncadd.tile.s32 @!p0 $0x1;
	_ =	shalt  }
.Lfunc_end2:
_tile_overlayer_lowered:
.L_overlay_start_2:
0xa4: {  	(tag) =	ssettag $0x2  }
0xa5: {  	s0 =	rddreg [dreg:$0x0];
	s2 =	stileid.u32  }
0xa6: {  	s1 =	rddreg [dreg:$0x1];
	p0 =	sne.s32 s2, $0x0  }
0xa7: {  	s3 =	rddreg [dreg:$0x2];
	[bflag:$0x3] =	sbarrier.arrive $0xFFFF;
	s2 =	simm.s32 @!p0 $0x1C05  }
0xa8: {  	[timem:s3], [sflag:s2] =	dma.local @!p0 [hbm:s0], s1  }
0xa9: {  	s0 =	simm.s32 @!p0 $0x5  }
0xaa: {  	_ =	swait.ge @!p0 [sflag:s0], s1  }
0xab: {  	s1 =	ssub.s32 @!p0 $0x0, s1;
	[sflag:s0] =	ssyncset.done @!p0 $0x0  }
0xac: {  	[sflag:s0] =	ssyncadd.s32 @!p0 s1  }
0xad: {  	[bflag:$0x3] =	sbarrier.arrive $0xFFFF  }
0xae: {  	_ =	shalt  }

// kernel: kernel.7.cloned.1.call-start
scs
__scs_entry_jumppad:
0x0: {  	(pc) =	sbr.rel $0x88, $3  }
0x1: {  	(tag) =	ssettag $0x0;
	lr =	simm.s32 $0x1  }
0x2: {  	[smem:$0x3F9D] =	sst lr;
	_ =	strace $0xD0000000  }
0x3: {  	_ = 	snop  }
0x4: {  	_ = 	snop  }
0x5: {  	_ = 	snop  }
0x6: {  	_ = 	snop  }
0x7: {  	_ = 	snop  }
__scs_overlays_trampoline_lowered:
0x8: {  	[smem:$0x3FAC] =	sst s0  }
0x9: {  	[smem:$0x3FAD] =	sst s1  }
0xa: {  	[smem:$0x3FAE] =	sst s2  }
0xb: {  	[smem:$0x3FAF] =	sst s3  }
0xc: {  	[smem:$0x3FB0] =	sst s4  }
0xd: {  	[smem:$0x3FB1] =	sst s5  }
0xe: {  	[smem:$0x3FB2] =	sst s6  }
0xf: {  	[smem:$0x3FB3] =	sst s7  }
0x10: {  	[smem:$0x3FB4] =	sst s8  }
0x11: {  	[smem:$0x3FB5] =	sst s9;
	s0 =	simm.s32 @!p0 $0x0  }
0x12: {  	s1 =	sld [smem:$0x3F9B];
	s0 =	simm.s32 @p0 $0x1  }
0x13: {  	[smem:$0x3FB6] =	sst s0;
	s0 =	simm.s32 @!p1 $0x0  }
0x14: {  	s2 =	sld [smem:$0x3F9A];
	s0 =	simm.s32 @p1 $0x1  }
0x15: {  	[smem:$0x3FB7] =	sst s0;
	s0 =	simm.s32 @!p2 $0x0  }
0x16: {  	s3 =	sld [smem:$0x3FDB];
	s0 =	simm.s32 @p2 $0x1  }
0x17: {  	s4 =	simm.s32 $0x1BF5;
	[smem:$0x3FB9] =	sst s0  }
0x18: {  	s0 =	sld [smem:$0x3F9C];
	_ =	swait.ge [sflag:s4], $0x0  }
0x19: {  	s7 =	sld [smem:$0x3F9D]  }
0x1a: {  	s8 =	sadd.s32 $0xFFFFE003, lr  }
0x1b: {  	s9 =	sadd.s32 $0xFFFFFEF7, lr;
	s5 =	simm.s32 $0xFFFFFFFF;
	p2 =	slt.u32 s8, $0xFFFFF086  }
0x1c: {  	p1 =	slt.u32 s9, $0xF7A;
	s5 =	simm.s32 @!p2 $0x0  }
0x1d: {  	s5 =	simm.s32 @p1 $0x1;
	p0 =	seq.s32 s7, s2  }
0x1e: {  	s7 =	smul.u32 @!p0 $0xF7A, s2;
	p2 =	seq.s32 @!p0 s5, $0x0  }
0x1f: {  	s9 =	smul.u32 $0xF7A, s1;
	s8 =	simm.s32 @!p0 $0x1BF5;
	p2 =	por !p2, p0  }
0x20: {  	[sflag:s8] =	ssyncset.s32 @!p0 $0xFFFFF086;
	s6 =	sadd.s32 @!p0 s3, s7;
	s7 =	simm.s32 @!p0 $0x108  }
0x21: {  	s3 =	sadd.s32 s3, s9;
	s6 =	sadd.s32 @!p0 $0x88, s6;
	s7 =	simm.s32 @p2 $0x1082  }
0x22: {  	[simem:s7], [sflag:s8] =	dma.local @!p0 [hbm:s6], $0xF7A  }
0x23: {  	s9 =	sor.u32 $0xD0000000, s2;
	s6 =	simm.s32 $0x108;
	_ =	swait.ge @!p0 [sflag:s8], $0x0  }
0x24: {  	s3 =	sadd.s32 $0x88, s3;
	s6 =	simm.s32 @!p1 $0x1082;
	[sflag:s4] =	ssyncset.s32 $0xFFFFF086  }
0x25: {  	[simem:s6], [sflag:s4] =	dma.local [hbm:s3], $0xF7A  }
0x26: {  	[smem:$0x3F9D] =	sst s1;
	(tag) =	ssettag s2;
	_ =	strace s9  }
0x27: {  	s1 =	sld [smem:$0x3FAD]  }
0x28: {  	s2 =	sld [smem:$0x3FAE]  }
0x29: {  	s4 =	sld [smem:$0x3FB0]  }
0x2a: {  	p0 =	seq.s32 s5, $0x0;
	s5 =	sld [smem:$0x3FB1]  }
0x2b: {  	s6 =	sld [smem:$0x3FB2]  }
0x2c: {  	s7 =	sld [smem:$0x3FB3]  }
0x2d: {  	s3 =	simm.s32 $0x108;
	s8 =	sld [smem:$0x3FB4]  }
0x2e: {  	s3 =	simm.s32 @!p0 $0x1082;
	s9 =	sld [smem:$0x3FB5]  }
0x2f: {  	lr =	sadd.s32 s0, s3;
	s0 =	sld [smem:$0x3FAC]  }
0x30: {  	s3 =	sld [smem:$0x3FAF]  }
0x31: {  	[smem:$0x3FB8] =	sst s10  }
0x32: {  	s10 =	sld [smem:$0x3FB6];
	_ =	sdelay $0x3  }
0x33: {  	p0 =	seq.s32 s10, $0x1;
	s10 =	sld [smem:$0x3FB8];
	_ =	sdelay $0x3  }
0x34: {  	[smem:$0x3FB8] =	sst s10  }
0x35: {  	s10 =	sld [smem:$0x3FB7];
	_ =	sdelay $0x3  }
0x36: {  	p1 =	seq.s32 s10, $0x1;
	s10 =	sld [smem:$0x3FB8];
	_ =	sdelay $0x3  }
0x37: {  	[smem:$0x3FB8] =	sst s10  }
0x38: {  	s10 =	sld [smem:$0x3FB9]  }
0x39: {  	_ = 	snop;
	(pc) =	sbr.ind lr, $3  }
0x3a: {  	_ = 	snop  }
0x3b: {  	_ = 	snop  }
0x3c: {  	p2 =	seq.s32 s10, $0x1;
	s10 =	sld [smem:$0x3FB8]  }
0x3d: {  	_ =	shalt  }
0x3e: {  	_ =	shalt  }
0x3f: {  	_ =	shalt  }
0x40: {  	_ =	shalt  }
0x41: {  	_ =	shalt  }
0x42: {  	_ =	shalt  }
0x43: {  	_ =	shalt  }
0x44: {  	_ =	shalt  }
0x45: {  	_ =	shalt  }
0x46: {  	_ =	shalt  }
0x47: {  	_ =	shalt  }
0x48: {  	_ =	shalt  }
0x49: {  	_ =	shalt  }
0x4a: {  	_ =	shalt  }
0x4b: {  	_ =	shalt  }
0x4c: {  	_ =	shalt  }
0x4d: {  	_ =	shalt  }
0x4e: {  	_ =	shalt  }
0x4f: {  	_ =	shalt  }
0x50: {  	_ =	shalt  }
0x51: {  	_ =	shalt  }
0x52: {  	_ =	shalt  }
0x53: {  	_ =	shalt  }
0x54: {  	_ =	shalt  }
0x55: {  	_ =	shalt  }
0x56: {  	_ =	shalt  }
0x57: {  	_ =	shalt  }
0x58: {  	_ =	shalt  }
0x59: {  	_ =	shalt  }
0x5a: {  	_ =	shalt  }
0x5b: {  	_ =	shalt  }
0x5c: {  	_ =	shalt  }
0x5d: {  	_ =	shalt  }
0x5e: {  	_ =	shalt  }
0x5f: {  	_ =	shalt  }
0x60: {  	_ =	shalt  }
0x61: {  	_ =	shalt  }
0x62: {  	_ =	shalt  }
0x63: {  	_ =	shalt  }
0x64: {  	_ =	shalt  }
0x65: {  	_ =	shalt  }
0x66: {  	_ =	shalt  }
0x67: {  	_ =	shalt  }
0x68: {  	_ =	shalt  }
0x69: {  	_ =	shalt  }
0x6a: {  	_ =	shalt  }
0x6b: {  	_ =	shalt  }
0x6c: {  	_ =	shalt  }
0x6d: {  	_ =	shalt  }
0x6e: {  	_ =	shalt  }
0x6f: {  	_ =	shalt  }
0x70: {  	_ =	shalt  }
0x71: {  	_ =	shalt  }
0x72: {  	_ =	shalt  }
0x73: {  	_ =	shalt  }
0x74: {  	_ =	shalt  }
0x75: {  	_ =	shalt  }
0x76: {  	_ =	shalt  }
0x77: {  	_ =	shalt  }
0x78: {  	_ =	shalt  }
0x79: {  	_ =	shalt  }
0x7a: {  	_ =	shalt  }
0x7b: {  	_ =	shalt  }
0x7c: {  	_ =	shalt  }
0x7d: {  	_ =	shalt  }
0x7e: {  	_ =	shalt  }
0x7f: {  	_ =	shalt  }
0x80: {  	_ =	shalt  }
0x81: {  	_ =	shalt  }
0x82: {  	_ =	shalt  }
0x83: {  	_ =	shalt  }
0x84: {  	_ =	shalt  }
0x85: {  	_ =	shalt  }
0x86: {  	_ =	shalt  }
0x87: {  	_ =	shalt  }
.Lfunc_end0:
.L_simem_size_0:
called_computation_lowered:
.L_overlay_start_0:
0x88: {  	s2 =	sld [smem:$0x3FD9]  }
0x89: {  	s3 =	sld [smem:$0x3FFE];
	_ =	sdelay $0x1  }
0x8a: {  	s1 =	srdreg.scid  }
0x8b: {  	s0 =	sand.u32 $0x1, s1  }
0x8c: {  	s17 =	sshll.u32 s0, $0xA;
	s2 =	sadd.s32 s3, s2  }
0x8d: {  	s2 =	sadd.s32 s2, s17  }
0x8e: {  	[smem:$0x3FC4] =	sst s2  }
0x8f: {  	_ = 	snop  }
0x90: {  	s2 =	sld [smem:$0x3FD0];
	(tm) =	ssettm $0x1  }
0x91: {  	s18 =	sld [smem:$0x3FFB];
	_ =	sdelay $0x3  }
0x92: {  	_ =	strace s18  }
0x93: {  	s3 =	sld [smem:$0x3FFC];
	_ =	sdelay $0x3  }
0x94: {  	_ =	strace s3  }
0x95: {  	s3 =	sld [smem:$0x3FFD];
	_ =	sdelay $0x3  }
0x96: {  	_ =	strace s3  }
0x97: {  	_ =	strace $0x8FFFFFFF  }
0x98: {  	s19 =	sld [smem:$0x3FDB];
	_ =	sdelay $0x1  }
0x99: {  	s4 =	simm.s32 $_scs_section_size  }
0x9a: {  	s5 =	simm.s32 $_size__tile_overlayer_lowered;
	s6 =	simm.s32 $_tile_overlayer_lowered  }
0x9b: {  	s22 =	simm.s32 $0x1BFF;
	s21 =	sshll.u32 s6, $0x1;
	s3 =	sadd.s32 s4, s19  }
0x9c: {  	s7 =	simm.s32 $0x0;
	s20 =	sshll.u32 s5, $0x1;
	s5 =	sadd.s32 s21, s3  }
0x9d: {  	[timem:s7], [sflag:s22] =	dma.local [hbm:s5], s20  }
0x9e: {  	_ =	swait.ge [sflag:s22], s20  }
0x9f: {  	s4 =	ssub.s32 $0x0, s20;
	[sflag:s22] =	ssyncset.done $0x0  }
0xa0: {  	[sflag:s22] =	ssyncadd.s32 s4;
	_ =	sdelay $0x1  }
0xa1: {  	s23 =	simm.s32 $0x1B8B  }
0xa2: {  	_ =	swait.ge [sflag:s23], $0x1  }
0xa3: {  	[sflag:s23] =	ssyncset.done $0x0  }
0xa4: {  	s25 =	simm.s32 $0x1B8E;
	s24 =	sld [smem:$0x3FFE];
	[sflag:s23] =	ssyncadd.s32 $0xFFFFFFFF  }
0xa5: {  	s26 =	simm.s32 $execute0_lowered;
	[smem:$0x3FD2] =	sst s25  }
0xa6: {  	s5 =	sshll.u32 s26, $0x1;
	_ =	strace $0x80000046;
	[dreg:$0x1] =	wrdreg $0xFFFFFFFF  }
0xa7: {  	s28 =	simm.s32 $_size_execute0_lowered;
	s3 =	sadd.s32 s3, s5;
	[dreg:$0x0] =	wrdreg $0x0  }
0xa8: {  	s5 =	sshll.u32 s28, $0x1;
	[dreg:$0x2] =	wrdreg s3  }
0xa9: {  	[dreg:$0x3] =	wrdreg s5  }
0xaa: {  	[dreg:$0x4] =	wrdreg $0xC0  }
0xab: {  	_ =	task [dreg:s7], $0x5FFFF  }
0xac: {  	[dreg:$0x1] =	wrdreg $0xFFFFFFFF  }
0xad: {  	[dreg:$0x0] =	wrdreg $0x60  }
0xae: {  	[dreg:$0x2] =	wrdreg s2  }
0xaf: {  	[dreg:$0x3] =	wrdreg s24  }
0xb0: {  	[dreg:$0x4] =	wrdreg $0x9  }
0xb1: {  	_ =	task.clear_ibuf [dreg:s7], $0x5FFFF;
	_ =	strace $0x90000046  }
0xb2: {  	s29 =	simm.s32 $0x9;
	_ =	strace $0x80000048  }
0xb3: {  	_ =	swait.ge [sflag:s29], $0x1  }
0xb4: {  	[sflag:s29] =	ssyncadd.s32 $0xFFFFFFFF  }
0xb5: {  	_ =	strace $0x90000048  }
0xb6: {  	_ =	sfence  }
0xb7: {  	s30 =	sld [smem:$0x0];
	_ =	sdelay $0x2  }
0xb8: {  	s31 =	sshll.u32 s1, $0xD;
	s1 =	sshrl.u32 s1, $0x2  }
0xb9: {  	s3 =	sand.u32 $0x4000, s31;
	s1 =	sadd.s32 s1, s30  }
0xba: {  	s0 =	sor.u32 s3, s0;
	s1 =	sshll.u32 s1, $0x11  }
0xbb: {  	s0 =	sor.u32 s1, s0  }
0xbc: {  	s0 =	sadd.s32 $0x8F2B, s0  }
0xbd: {  	[sflag:s0] =	ssyncadd.remote.s32 $0x1  }
0xbe: {  	_ =	sfence.sel $0xFFFF  }
0xbf: {  	[dreg:$0x0] =	wrdreg $0xFFFFFFFF;
	(pc) =	sbr.abs _section_cstart, $3  }
0xc0: {  	[dreg:$0x1] =	wrdreg $0xFFFFFFFF  }
0xc1: {  	_ =	task.clear_ibuf [dreg:s7], $0x2FFFF;
	_ =	strace $0x9FFFFFFF  }
0xc2: {  	(tm) =	ssettm $0x7FFFFFFF  }
0xc3: {  	_ =	shalt  }
tec
execute0_lowered:
.L_overlay_start_1:
0x0: {  	(tag) =	ssettag $0x1  }
0x1: {  	s0 =	srdreg.scid  }
0x2: {  	s3 =	sand.u32 $0x1, s0  }
0x3: {  	s4 =	rddreg [dreg:$0x0];
	s0 =	stileid.u32;
	s1 =	sshll.u32 s3, $0x4  }
0x4: {  	s6 =	rddreg [dreg:$0x1];
	s2 =	simm.s32 $0x0;
	s1 =	sor.u32 s0, s1  }
0x5: {  	s8 =	simm.s32 $0x1;
	s9 =	simm.s32 $0x2800;
	s1 =	sshrl.u32 s1, $0x3  }
0x6: {  	s10 =	simm.s32 $0x0;
	s30 =	sshll.u32 s0, $0x7;
	s5 =	smul.u32 $0x14000, s1  }
0x7: {  	[smem:$0x7FF] =	sst s2;
	s3 =	ssub.s32 $0x2, s3;
	s7 =	sand.u32 $0x380, s30  }
0x8: {  	s31 =	sshrl.u32 s3, $0x1;
	s1 =	rddreg [dreg:$0x2];
	s5 =	sor.u32 s7, s5  }
0x9: {  	_ =	strace $0x80000047;
	s7 =	ssub.s32 s3, s31;
	s5 =	sshrl.u32 s5, $0x3  }
0xa: {  	s6 =	sadd.s32 s5, s6;
	s3 =	sadd.s32 s4, s5;
	s5 =	smax.u32 s7, $0x1  }
0xb: {  	v0 =	vimm.f32 $0.0e+00;
	v1 =	vimm.f32 $1.000000000e+00;
	s7 =	simm.s32 $0x400;
	s4 =	sadd.s32 $0xB000, s6;
	s6 =	simm.s32 $0x80  }
.LBB2_1:
0xc: {  	[tilespmem:s2], [sflag:$0x1] =	stream.strided.gather [hbm4b:s3+s6], $0x2800, s7, s6, $0x38;
	[tilespmem:$0x5000] =	vst v63  }
0xd: {  	_ =	swait.ge [sflag:s8], $0x2800  }
0xe: {  	[sflag:s8] =	ssyncset.done $0x0  }
0xf: {  	s11 =	simm.s32 $0x0;
	[sflag:s8] =	ssyncadd.s32 $0xFFFFD800  }
.LBB2_2:
0x10: {  	p0 =	sne.s32 s11, $0x9FC0  }
.Ltmp0:
0x11: {  	_ = 	snop;
	(pc) =	sbr.rel @p0 .LBB2_2-.Ltmp0, $3  }
0x12: {  	_ =	sdelay $0x1  }
0x13: {  	s12 =	sshra.s32 s11, $0x2  }
0x14: {  	s11 =	sadd.s32 $0x40, s11;
	[tilespmem:s12+$0x2800] =	vst v0  }
0x15: {  	s12 =	simm.s32 $0x0;
	s11 =	simm.s32 $0x40  }
.LBB2_4:
0x16: {  	p0 =	sne.s32 s11, $0x9FC0;
	v2 =	vld [tilespmem:s12+$0x0];
	_ =	sdelay $0x3  }
.Ltmp1:
0x17: {  	(pc) =	sbr.rel @p0 .LBB2_4-.Ltmp1, $2  }
0x18: {  	_ =	sdelay $0x2  }
0x19: {  	s12 =	sshra.s32 s11, $0x2;
	s11 =	sadd.s32 $0x40, s11;
	[tilespmem:v2+s9+$0x0] =	vst.idx.add.f32.msk $0xffff, v1  }
0x1a: {  	v2 =	vld [tilespmem:s12+$0x0];
	_ =	sdelay $0x5  }
0x1b: {  	s10 =	sadd.s32 $0x1, s10  }
0x1c: {  	p0 =	sne.s32 s10, s5  }
.Ltmp2:
0x1d: {  	[tilespmem:v2+s9+$0x0] =	vst.idx.add.f32.msk $0xffff, v1;
	(pc) =	sbr.rel @p0 .LBB2_1-.Ltmp2, $4  }
0x1e: {  	[hbm4b:s4+s6] =	stream.strided.scatter [tilespmem:s9], [sflag:$0x1], $0x2800, s7, s6, $0x38;
	[tilespmem:$0x5000] =	vst v63  }
0x1f: {  	_ =	swait.ge [sflag:s8], $0x2800  }
0x20: {  	[sflag:s8] =	ssyncset.done $0x0  }
0x21: {  	[sflag:s8] =	ssyncadd.s32 $0xFFFFD800  }
0x22: {  	_ =	sfence.sel $0x180000  }
0x23: {  	[bflag:$0x0] =	sbarrier.arrive $0xFFFF  }
0x24: {  	p0 =	sne.s32 s0, $0x0;
	_ =	strace $0x90000047  }
0x25: {  	s0 =	sadd.s32 @!p0 $0x100000, s1;
	[bflag:$0x2] =	sbarrier.arrive $0xFFFF  }
0x26: {  	[sflag:s0] =	ssyncadd.tile.s32 @!p0 $0x1;
	_ =	shalt  }
.Lfunc_end2:
_tile_overlayer_lowered:
.L_overlay_start_2:
0x27: {  	(tag) =	ssettag $0x2  }
0x28: {  	s0 =	rddreg [dreg:$0x0];
	s2 =	stileid.u32  }
0x29: {  	s1 =	rddreg [dreg:$0x1];
	p0 =	sne.s32 s2, $0x0  }
0x2a: {  	s3 =	rddreg [dreg:$0x2];
	[bflag:$0x3] =	sbarrier.arrive $0xFFFF;
	s2 =	simm.s32 @!p0 $0x1C01  }
0x2b: {  	[timem:s3], [sflag:s2] =	dma.local @!p0 [hbm:s0], s1  }
0x2c: {  	s0 =	simm.s32 @!p0 $0x1  }
0x2d: {  	_ =	swait.ge @!p0 [sflag:s0], s1  }
0x2e: {  	s1 =	ssub.s32 @!p0 $0x0, s1;
	[sflag:s0] =	ssyncset.done @!p0 $0x0  }
0x2f: {  	[sflag:s0] =	ssyncadd.s32 @!p0 s1  }
0x30: {  	[bflag:$0x3] =	sbarrier.arrive $0xFFFF  }
0x31: {  	_ =	shalt  }

</sc_bundles>
